<compile_context>
chip_gen: v7x
topology: tpu7x:2x2x1
jax: 0.10.2.dev20260603
libtpu: 0.0.44.dev20260713+nightly
codegen_flags: <defaults>
</compile_context>

<pallas_src>
import functools

import jax
import jax.numpy as jnp
from jax import lax
from jax.experimental import pallas as pl
from jax.experimental.pallas import tpu as pltpu
from jax.experimental.pallas import tpu_sc as plsc

HIDDEN = 128
LANES = 16
NUM_CORES = 2
NUM_SUBCORES = 16
NUM_WORKERS = NUM_CORES * NUM_SUBCORES
CHUNK = 80
NBUF = 2


def _combine_tables(level_emb, cate_emb):
    nl, nc = level_emb.shape[0], cate_emb.shape[0]

    def body(lvl_ref, cat_ref, out_ref):
        out_ref[...] = lvl_ref[...][:, None, :] + cat_ref[...][None, :, :]

    comb3 = pl.pallas_call(
        body,
        out_shape=jax.ShapeDtypeStruct((nl, nc, HIDDEN), jnp.float32),
    )(level_emb, cate_emb)
    return comb3.reshape(nl * nc, HIDDEN)


def kernel(x, cate_emb, level_emb, pe):
    n = x.shape[0]
    nl, nc, npe = level_emb.shape[0], cate_emb.shape[0], pe.shape[0]
    ncomb = nl * nc

    xi = x.astype(jnp.int32)
    fidx = jnp.clip(xi[:, 0], 0, nl - 1) * nc + jnp.clip(xi[:, 1], 0, nc - 1)
    tho = jnp.clip(xi[:, 2], 0, npe - 1)

    comb = _combine_tables(level_emb, cate_emb)

    k_per_w = -(-n // (NUM_WORKERS * CHUNK))
    total = NUM_WORKERS * k_per_w * CHUNK
    fidx_p = jnp.pad(fidx, (0, total - n))
    tho_p = jnp.pad(tho, (0, total - n))
    idx_packed = jnp.stack(
        [fidx_p.reshape(-1, CHUNK), tho_p.reshape(-1, CHUNK)], axis=1
    )

    comb_part = ncomb // 8
    pe_part = npe // 8

    mesh = plsc.VectorSubcoreMesh(core_axis_name="c", subcore_axis_name="s")

    @functools.partial(
        pl.kernel,
        out_type=(
            jax.ShapeDtypeStruct((n, HIDDEN), jnp.float32),
            jax.ShapeDtypeStruct((CHUNK, HIDDEN), jnp.float32),
        ),
        mesh=mesh,
        compiler_params=pltpu.CompilerParams(use_tc_tiling_on_sc=False),
        scratch_types=[
            pltpu.VMEM((k_per_w, 2, CHUNK), jnp.int32),
            pltpu.VMEM((CHUNK, HIDDEN), jnp.float32),
            pltpu.VMEM((CHUNK, HIDDEN), jnp.float32),
            pltpu.VMEM((NBUF, CHUNK, HIDDEN), jnp.float32),
            pltpu.VMEM_SHARED((ncomb, HIDDEN), jnp.float32),
            pltpu.VMEM_SHARED((npe, HIDDEN), jnp.float32),
            pltpu.SemaphoreType.DMA,
            pltpu.SemaphoreType.DMA,
        ],
    )
    def enc(idx_hbm, comb_hbm, pe_hbm, out_hbm, dum_hbm,
            idxbuf, g_a, g_b, st, comb_sp, pe_sp, sem_o0, sem_o1):
        sem_o = (sem_o0, sem_o1)
        sid = lax.axis_index("s")
        w = sid * NUM_CORES + lax.axis_index("c")

        pltpu.sync_copy(idx_hbm.at[pl.ds(w * k_per_w, k_per_w)], idxbuf)

        @pl.when(sid < 8)
        def _():
            pltpu.sync_copy(
                comb_hbm.at[pl.ds(sid * comb_part, comb_part)],
                comb_sp.at[pl.ds(sid * comb_part, comb_part)],
            )

        @pl.when(sid >= 8)
        def _():
            pltpu.sync_copy(
                pe_hbm.at[pl.ds((sid - 8) * pe_part, pe_part)],
                pe_sp.at[pl.ds((sid - 8) * pe_part, pe_part)],
            )

        plsc.subcore_barrier()

        def out_issue(b, k):
            base = (w * k_per_w + k) * CHUNK
            is_real = base < n

            @pl.when(is_real)
            def _():
                pltpu.async_copy(st.at[b], out_hbm.at[pl.ds(base, CHUNK)],
                                 sem_o[b])

            @pl.when(jnp.logical_not(is_real))
            def _():
                pltpu.async_copy(st.at[b], dum_hbm, sem_o[b])

        @pl.loop(0, k_per_w, step=NBUF)
        def _pair(t):
            for b in range(NBUF):
                k = t + b
                pltpu.sync_copy(comb_sp.at[idxbuf.at[k, 0]], g_a)
                pltpu.sync_copy(pe_sp.at[idxbuf.at[k, 1]], g_b)

                @pl.when(t > 0)
                def _():
                    pltpu.make_async_copy(st.at[b], dum_hbm, sem_o[b]).wait()

                @pl.loop(0, CHUNK)
                def _row(r):
                    for h in range(HIDDEN // LANES):
                        sl = (r, pl.ds(h * LANES, LANES))
                        st[(b, *sl)] = g_a[sl] + g_b[sl]

                out_issue(b, k)

        pltpu.make_async_copy(st.at[0], dum_hbm, sem_o[0]).wait()
        pltpu.make_async_copy(st.at[1], dum_hbm, sem_o[1]).wait()

    out, _ = enc(idx_packed, comb, pe)
    return out

# --- scband reference (transcript-rebuilt; emitter-appended) ---
"""Pipeline reference for scband-node-encoder-7086696038631 (READ-ONLY COPY).

The authoritative reference and input builder live on the scoring server;
editing this copy changes nothing except your own understanding.
"""

import jax, jax.numpy as jnp
import numpy as np

HIDDEN = 128
MAX_LEVEL = 1000
MAX_THOUGHTS = 5000
N = 100000


def make_pe(max_thoughts, hidden):
    position = np.arange(0, max_thoughts, dtype=np.float32)[:, None]
    div_term = np.exp(np.arange(0, hidden, 2).astype(np.float32) * (-np.log(10000.0) / hidden))
    pe = np.zeros((max_thoughts, hidden), dtype=np.float32)
    pe[:, 0::2] = np.sin(position * div_term)
    pe[:, 1::2] = np.cos(position * div_term)
    return jnp.asarray(pe)


def setup_inputs(seed: int = 0) -> dict:
    key = jax.random.key(seed)
    k1, k2, k3 = jax.random.split(key, 3)
    x = jax.random.randint(k1, (N, 3), 0, MAX_THOUGHTS, dtype=jnp.int32)
    cate_emb = jax.random.normal(k2, (5, HIDDEN), dtype=jnp.float32)
    level_emb = jax.random.normal(k3, (MAX_LEVEL, HIDDEN), dtype=jnp.float32)
    pe = make_pe(MAX_THOUGHTS, HIDDEN)
    return {"x": x, "cate_emb": cate_emb, "level_emb": level_emb, "pe": pe}


def reference(x, cate_emb, level_emb, pe):
    xi = x.astype(jnp.int32)
    level = jnp.clip(xi[:, 0], 0, level_emb.shape[0] - 1)
    cate = jnp.clip(xi[:, 1], 0, cate_emb.shape[0] - 1)
    thought = jnp.clip(xi[:, 2], 0, pe.shape[0] - 1)
    return jnp.take(cate_emb, cate, axis=0) + jnp.take(level_emb, level, axis=0) + jnp.take(pe, thought, axis=0)

if __name__ == "__main__":
    import jax
    _d = setup_inputs()
    print(jax.jit(kernel)(*tuple(_d.values())))

</pallas_src>

<mosaic_0001>
#map = affine_map<(d0, d1) -> (0, 0, 0)>
#map1 = affine_map<(d0, d1) -> (0, 0)>
module attributes {stable_mosaic.version = 14 : i64} {
  func.func @enc(%arg0: i32, %arg1: i32, %arg2: memref<1280x2x80xi32, #tpu.memory_space<hbm>>, %arg3: memref<5000x128xf32, #tpu.memory_space<hbm>>, %arg4: memref<5000x128xf32, #tpu.memory_space<hbm>>, %arg5: memref<100000x128xf32, #tpu.memory_space<hbm>>, %arg6: memref<80x128xf32, #tpu.memory_space<hbm>>, %arg7: memref<40x2x80xi32, #tpu.memory_space<vmem>>, %arg8: memref<80x128xf32, #tpu.memory_space<vmem>>, %arg9: memref<80x128xf32, #tpu.memory_space<vmem>>, %arg10: memref<2x80x128xf32, #tpu.memory_space<vmem>>, %arg11: memref<5000x128xf32, #tpu.memory_space<vmem_shared>>, %arg12: memref<5000x128xf32, #tpu.memory_space<vmem_shared>>, %arg13: memref<!tpu.dma_semaphore, #tpu.memory_space<semaphore_mem>>, %arg14: memref<!tpu.dma_semaphore, #tpu.memory_space<semaphore_mem>>) attributes {dimension_semantics = [#tpu.dimension_semantics<core_parallel>, #tpu.dimension_semantics<subcore_parallel>], iteration_bounds = array<i64: 2, 16>, scalar_prefetch = 0 : i64, scratch_operands = 8 : i64, tpu.core_type = #tpu.core_type<sc_vector_subcore>, window_params = [{transform_indices = #map}, {transform_indices = #map1}, {transform_indices = #map1}, {transform_indices = #map1}, {transform_indices = #map1}]} {
    %mul3A = arith.constant 2 : i32
    %mul3A_0 = arith.muli %arg1, %mul3A : i32
    %add3A = arith.addi %mul3A_0, %arg0 : i32
    %mul3A_1 = arith.constant 40 : i32
    %mul3A_2 = arith.muli %add3A, %mul3A_1 : i32
    "tpu.region"() ({
      %run_scoped3A = tpu.sem_alloc : memref<!tpu.dma_semaphore, #tpu.memory_space<semaphore_mem>>
      %dma_start3A = arith.constant 0 : i32
      %dma_start3A_30 = arith.constant 0 : i32
      %dma_start3A_31 = tpu.memref_slice %arg2[%mul3A_2, %dma_start3A, %dma_start3A_30] : memref<1280x2x80xi32, #tpu.memory_space<hbm>> -> memref<40x2x80xi32, #tpu.memory_space<hbm>>
      %dma_start3A_32 = arith.constant 0 : i32
      %dma_start3A_33 = arith.constant 0 : i32
      %dma_start3A_34 = tpu.memref_slice %arg2[%mul3A_2, %dma_start3A_32, %dma_start3A_33] : memref<1280x2x80xi32, #tpu.memory_space<hbm>> -> memref<40x2x80xi32, #tpu.memory_space<hbm>>
      tpu.enqueue_dma source(%dma_start3A_34 : memref<40x2x80xi32, #tpu.memory_space<hbm>>) target(%arg7 : memref<40x2x80xi32, #tpu.memory_space<vmem>>) target_semaphore(%run_scoped3A : memref<!tpu.dma_semaphore, #tpu.memory_space<semaphore_mem>>)
      %dma_wait3A_35 = arith.constant 0 : i32
      %dma_wait3A_36 = arith.constant 0 : i32
      %dma_wait3A_37 = tpu.memref_slice %arg2[%mul3A_2, %dma_wait3A_35, %dma_wait3A_36] : memref<1280x2x80xi32, #tpu.memory_space<hbm>> -> memref<40x2x80xi32, #tpu.memory_space<hbm>>
      %dma_wait3A_38 = arith.constant 0 : i32
      %dma_wait3A_39 = arith.constant 0 : i32
      %dma_wait3A_40 = tpu.memref_slice %arg2[%mul3A_2, %dma_wait3A_38, %dma_wait3A_39] : memref<1280x2x80xi32, #tpu.memory_space<hbm>> -> memref<40x2x80xi32, #tpu.memory_space<hbm>>
      tpu.wait_dma2 semaphore(%run_scoped3A : memref<!tpu.dma_semaphore, #tpu.memory_space<semaphore_mem>>) src(%dma_wait3A_40 : memref<40x2x80xi32, #tpu.memory_space<hbm>>) dst(%arg7 : memref<40x2x80xi32, #tpu.memory_space<vmem>>)
      tpu.yield
    }) : () -> ()
    %lt3A = arith.constant 8 : i32
    %lt3A_3 = arith.cmpi slt, %arg1, %lt3A : i32
    %convert_element_type3A = arith.extui %lt3A_3 : i1 to i32
    %cond3A = arith.constant 0 : i32
    %cond3A_4 = arith.cmpi ne, %convert_element_type3A, %cond3A : i32
    scf.if %cond3A_4 {
      %mul3A_30 = arith.constant 625 : i32
      %mul3A_31 = arith.muli %arg1, %mul3A_30 : i32
      %mul3A_32 = arith.constant 625 : i32
      %mul3A_33 = arith.muli %arg1, %mul3A_32 : i32
      "tpu.region"() ({
        %run_scoped3A = tpu.sem_alloc : memref<!tpu.dma_semaphore, #tpu.memory_space<semaphore_mem>>
        %dma_start3A = arith.constant 0 : i32
        %dma_start3A_34 = tpu.memref_slice %arg11[%mul3A_33, %dma_start3A] : memref<5000x128xf32, #tpu.memory_space<vmem_shared>> -> memref<625x128xf32, #tpu.memory_space<vmem_shared>>
        %dma_start3A_35 = arith.constant 0 : i32
        %dma_start3A_36 = tpu.memref_slice %arg3[%mul3A_31, %dma_start3A_35] : memref<5000x128xf32, #tpu.memory_space<hbm>> -> memref<625x128xf32, #tpu.memory_space<hbm>>
        tpu.enqueue_dma source(%dma_start3A_36 : memref<625x128xf32, #tpu.memory_space<hbm>>) target(%dma_start3A_34 : memref<625x128xf32, #tpu.memory_space<vmem_shared>>) target_semaphore(%run_scoped3A : memref<!tpu.dma_semaphore, #tpu.memory_space<semaphore_mem>>)
        %dma_wait3A_37 = arith.constant 0 : i32
        %dma_wait3A_38 = tpu.memref_slice %arg11[%mul3A_33, %dma_wait3A_37] : memref<5000x128xf32, #tpu.memory_space<vmem_shared>> -> memref<625x128xf32, #tpu.memory_space<vmem_shared>>
        %dma_wait3A_39 = arith.constant 0 : i32
        %dma_wait3A_40 = tpu.memref_slice %arg3[%mul3A_31, %dma_wait3A_39] : memref<5000x128xf32, #tpu.memory_space<hbm>> -> memref<625x128xf32, #tpu.memory_space<hbm>>
        tpu.wait_dma2 semaphore(%run_scoped3A : memref<!tpu.dma_semaphore, #tpu.memory_space<semaphore_mem>>) src(%dma_wait3A_40 : memref<625x128xf32, #tpu.memory_space<hbm>>) dst(%dma_wait3A_38 : memref<625x128xf32, #tpu.memory_space<vmem_shared>>)
        tpu.yield
      }) : () -> ()
    } else {
    }
    %ge3A = arith.constant 8 : i32
    %ge3A_5 = arith.cmpi sge, %arg1, %ge3A : i32
    %convert_element_type3A_6 = arith.extui %ge3A_5 : i1 to i32
    %cond3A_7 = arith.constant 0 : i32
    %cond3A_8 = arith.cmpi ne, %convert_element_type3A_6, %cond3A_7 : i32
    scf.if %cond3A_8 {
      %sub3A = arith.constant 8 : i32
      %sub3A_30 = arith.subi %arg1, %sub3A : i32
      %mul3A_31 = arith.constant 625 : i32
      %mul3A_32 = arith.muli %sub3A_30, %mul3A_31 : i32
      %sub3A_33 = arith.constant 8 : i32
      %sub3A_34 = arith.subi %arg1, %sub3A_33 : i32
      %mul3A_35 = arith.constant 625 : i32
      %mul3A_36 = arith.muli %sub3A_34, %mul3A_35 : i32
      "tpu.region"() ({
        %run_scoped3A = tpu.sem_alloc : memref<!tpu.dma_semaphore, #tpu.memory_space<semaphore_mem>>
        %dma_start3A = arith.constant 0 : i32
        %dma_start3A_37 = tpu.memref_slice %arg12[%mul3A_36, %dma_start3A] : memref<5000x128xf32, #tpu.memory_space<vmem_shared>> -> memref<625x128xf32, #tpu.memory_space<vmem_shared>>
        %dma_start3A_38 = arith.constant 0 : i32
        %dma_start3A_39 = tpu.memref_slice %arg4[%mul3A_32, %dma_start3A_38] : memref<5000x128xf32, #tpu.memory_space<hbm>> -> memref<625x128xf32, #tpu.memory_space<hbm>>
        tpu.enqueue_dma source(%dma_start3A_39 : memref<625x128xf32, #tpu.memory_space<hbm>>) target(%dma_start3A_37 : memref<625x128xf32, #tpu.memory_space<vmem_shared>>) target_semaphore(%run_scoped3A : memref<!tpu.dma_semaphore, #tpu.memory_space<semaphore_mem>>)
        %dma_wait3A_40 = arith.constant 0 : i32
        %dma_wait3A_41 = tpu.memref_slice %arg12[%mul3A_36, %dma_wait3A_40] : memref<5000x128xf32, #tpu.memory_space<vmem_shared>> -> memref<625x128xf32, #tpu.memory_space<vmem_shared>>
        %dma_wait3A_42 = arith.constant 0 : i32
        %dma_wait3A_43 = tpu.memref_slice %arg4[%mul3A_32, %dma_wait3A_42] : memref<5000x128xf32, #tpu.memory_space<hbm>> -> memref<625x128xf32, #tpu.memory_space<hbm>>
        tpu.wait_dma2 semaphore(%run_scoped3A : memref<!tpu.dma_semaphore, #tpu.memory_space<semaphore_mem>>) src(%dma_wait3A_43 : memref<625x128xf32, #tpu.memory_space<hbm>>) dst(%dma_wait3A_41 : memref<625x128xf32, #tpu.memory_space<vmem_shared>>)
        tpu.yield
      }) : () -> ()
    } else {
    }
    %barrier3A = arith.constant 0 : index
    tpu.barrier barrier_id(%barrier3A)
    %scan3A = arith.constant 0 : i32
    %scan3A_9 = arith.constant 20 : i32
    %scan3A_10 = arith.addi %scan3A, %scan3A_9 : i32
    %scan3A_11 = arith.constant 1 : i32
    scf.for %scan3A_30 = %scan3A to %scan3A_10 step %scan3A_11  : i32 {
      %mul3A_31 = arith.constant 2 : i32
      %mul3A_32 = arith.muli %scan3A_30, %mul3A_31 : i32
      %add3A_33 = arith.constant 0 : i32
      %add3A_34 = arith.addi %add3A_33, %mul3A_32 : i32
      %add3A_35 = arith.constant 0 : i32
      %add3A_36 = arith.addi %add3A_34, %add3A_35 : i32
      %run_scoped3A = arith.constant 0 : i32
      "tpu.region"() ({
        %run_scoped3A_90 = tpu.sem_alloc : memref<!tpu.dma_semaphore, #tpu.memory_space<semaphore_mem>>
        %dma_start3A = arith.constant 0 : i32
        %dma_start3A_91 = tpu.memref_slice %arg7[%add3A_36, %run_scoped3A, %dma_start3A] : memref<40x2x80xi32, #tpu.memory_space<vmem>> -> memref<1x1x80xi32, #tpu.memory_space<vmem>>
        %dma_start3A_92 = tpu.memref_squeeze %dma_start3A_91 : memref<1x1x80xi32, #tpu.memory_space<vmem>> -> memref<80xi32, #tpu.memory_space<vmem>>
        %dma_start3A_93 = arith.constant 0 : i32
        %dma_start3A_94 = arith.constant 0 : i32
        %dma_start3A_95 = tpu.memref_slice %arg11[%dma_start3A_93, %dma_start3A_94] : memref<5000x128xf32, #tpu.memory_space<vmem_shared>> -> memref<5000x128xf32, #tpu.memory_space<vmem_shared>>
        tpu.enqueue_indirect_dma source(%dma_start3A_95 : memref<5000x128xf32, #tpu.memory_space<vmem_shared>>) target(%arg8 : memref<80x128xf32, #tpu.memory_space<vmem>>) offsets(%dma_start3A_92 : memref<80xi32, #tpu.memory_space<vmem>>) semaphore(%run_scoped3A_90 : memref<!tpu.dma_semaphore, #tpu.memory_space<semaphore_mem>>)
        %dma_wait3A_96 = arith.constant 0 : i32
        %dma_wait3A_97 = tpu.memref_slice %arg7[%add3A_36, %run_scoped3A, %dma_wait3A_96] : memref<40x2x80xi32, #tpu.memory_space<vmem>> -> memref<1x1x80xi32, #tpu.memory_space<vmem>>
        %dma_wait3A_98 = tpu.memref_squeeze %dma_wait3A_97 : memref<1x1x80xi32, #tpu.memory_space<vmem>> -> memref<80xi32, #tpu.memory_space<vmem>>
        %dma_wait3A_99 = arith.constant 0 : i32
        %dma_wait3A_100 = arith.constant 0 : i32
        %dma_wait3A_101 = tpu.memref_slice %arg11[%dma_wait3A_99, %dma_wait3A_100] : memref<5000x128xf32, #tpu.memory_space<vmem_shared>> -> memref<5000x128xf32, #tpu.memory_space<vmem_shared>>
        tpu.wait_indirect_dma semaphore(%run_scoped3A_90 : memref<!tpu.dma_semaphore, #tpu.memory_space<semaphore_mem>>) src(%dma_wait3A_101 : memref<5000x128xf32, #tpu.memory_space<vmem_shared>>) dst(%arg8 : memref<80x128xf32, #tpu.memory_space<vmem>>)
        tpu.yield
      }) : () -> ()
      %run_scoped3A_37 = arith.constant 1 : i32
      "tpu.region"() ({
        %run_scoped3A_90 = tpu.sem_alloc : memref<!tpu.dma_semaphore, #tpu.memory_space<semaphore_mem>>
        %dma_start3A = arith.constant 0 : i32
        %dma_start3A_91 = tpu.memref_slice %arg7[%add3A_36, %run_scoped3A_37, %dma_start3A] : memref<40x2x80xi32, #tpu.memory_space<vmem>> -> memref<1x1x80xi32, #tpu.memory_space<vmem>>
        %dma_start3A_92 = tpu.memref_squeeze %dma_start3A_91 : memref<1x1x80xi32, #tpu.memory_space<vmem>> -> memref<80xi32, #tpu.memory_space<vmem>>
        %dma_start3A_93 = arith.constant 0 : i32
        %dma_start3A_94 = arith.constant 0 : i32
        %dma_start3A_95 = tpu.memref_slice %arg12[%dma_start3A_93, %dma_start3A_94] : memref<5000x128xf32, #tpu.memory_space<vmem_shared>> -> memref<5000x128xf32, #tpu.memory_space<vmem_shared>>
        tpu.enqueue_indirect_dma source(%dma_start3A_95 : memref<5000x128xf32, #tpu.memory_space<vmem_shared>>) target(%arg9 : memref<80x128xf32, #tpu.memory_space<vmem>>) offsets(%dma_start3A_92 : memref<80xi32, #tpu.memory_space<vmem>>) semaphore(%run_scoped3A_90 : memref<!tpu.dma_semaphore, #tpu.memory_space<semaphore_mem>>)
        %dma_wait3A_96 = arith.constant 0 : i32
        %dma_wait3A_97 = tpu.memref_slice %arg7[%add3A_36, %run_scoped3A_37, %dma_wait3A_96] : memref<40x2x80xi32, #tpu.memory_space<vmem>> -> memref<1x1x80xi32, #tpu.memory_space<vmem>>
        %dma_wait3A_98 = tpu.memref_squeeze %dma_wait3A_97 : memref<1x1x80xi32, #tpu.memory_space<vmem>> -> memref<80xi32, #tpu.memory_space<vmem>>
        %dma_wait3A_99 = arith.constant 0 : i32
        %dma_wait3A_100 = arith.constant 0 : i32
        %dma_wait3A_101 = tpu.memref_slice %arg12[%dma_wait3A_99, %dma_wait3A_100] : memref<5000x128xf32, #tpu.memory_space<vmem_shared>> -> memref<5000x128xf32, #tpu.memory_space<vmem_shared>>
        tpu.wait_indirect_dma semaphore(%run_scoped3A_90 : memref<!tpu.dma_semaphore, #tpu.memory_space<semaphore_mem>>) src(%dma_wait3A_101 : memref<5000x128xf32, #tpu.memory_space<vmem_shared>>) dst(%arg9 : memref<80x128xf32, #tpu.memory_space<vmem>>)
        tpu.yield
      }) : () -> ()
      %gt3A = arith.constant 0 : i32
      %gt3A_38 = arith.cmpi sgt, %add3A_34, %gt3A : i32
      %convert_element_type3A_39 = arith.extui %gt3A_38 : i1 to i32
      %cond3A_40 = arith.constant 0 : i32
      %cond3A_41 = arith.cmpi ne, %convert_element_type3A_39, %cond3A_40 : i32
      scf.if %cond3A_41 {
        %dma_wait3A_90 = arith.constant 0 : i32
        %dma_wait3A_91 = arith.constant 0 : i32
        %dma_wait3A_92 = arith.constant 0 : i32
        %dma_wait3A_93 = tpu.memref_slice %arg10[%dma_wait3A_90, %dma_wait3A_91, %dma_wait3A_92] : memref<2x80x128xf32, #tpu.memory_space<vmem>> -> memref<1x80x128xf32, #tpu.memory_space<vmem>>
        %dma_wait3A_94 = tpu.memref_squeeze %dma_wait3A_93 : memref<1x80x128xf32, #tpu.memory_space<vmem>> -> memref<80x128xf32, #tpu.memory_space<vmem>>
        %dma_wait3A_95 = arith.constant 0 : i32
        %dma_wait3A_96 = arith.constant 0 : i32
        %dma_wait3A_97 = tpu.memref_slice %arg10[%dma_wait3A_90, %dma_wait3A_95, %dma_wait3A_96] : memref<2x80x128xf32, #tpu.memory_space<vmem>> -> memref<1x80x128xf32, #tpu.memory_space<vmem>>
        %dma_wait3A_98 = tpu.memref_squeeze %dma_wait3A_97 : memref<1x80x128xf32, #tpu.memory_space<vmem>> -> memref<80x128xf32, #tpu.memory_space<vmem>>
        tpu.wait_dma2 semaphore(%arg13 : memref<!tpu.dma_semaphore, #tpu.memory_space<semaphore_mem>>) src(%dma_wait3A_98 : memref<80x128xf32, #tpu.memory_space<vmem>>) dst(%arg6 : memref<80x128xf32, #tpu.memory_space<hbm>>)
      } else {
      }
      %scan3A_42 = arith.constant 0 : i32
      %scan3A_43 = arith.constant 80 : i32
      %scan3A_44 = arith.addi %scan3A_42, %scan3A_43 : i32
      %scan3A_45 = arith.constant 1 : i32
      scf.for %scan3A_90 = %scan3A_42 to %scan3A_44 step %scan3A_45  : i32 {
        %mul3A_91 = arith.constant 1 : i32
        %mul3A_92 = arith.muli %scan3A_90, %mul3A_91 : i32
        %add3A_93 = arith.constant 0 : i32
        %add3A_94 = arith.addi %add3A_93, %mul3A_92 : i32
        %get3A = arith.index_cast %add3A_94 : i32 to index
        %get3A_95 = arith.constant 0 : index
        %get3A_96 = tpu.vector_load %arg8[%get3A, %get3A_95] {strides = array<i32>} : memref<80x128xf32, #tpu.memory_space<vmem>>, vector<1x16xf32>,
        %get3A_97 = vector.shape_cast %get3A_96 : vector<1x16xf32> to vector<16xf32>
        %get3A_98 = arith.index_cast %add3A_94 : i32 to index
        %get3A_99 = arith.constant 0 : index
        %get3A_100 = tpu.vector_load %arg9[%get3A_98, %get3A_99] {strides = array<i32>} : memref<80x128xf32, #tpu.memory_space<vmem>>, vector<1x16xf32>,
        %get3A_101 = vector.shape_cast %get3A_100 : vector<1x16xf32> to vector<16xf32>
        %add3A_102 = arith.addf %get3A_97, %get3A_101 : vector<16xf32>
        %swap3A = arith.constant 0 : i32
        %swap3A_103 = arith.index_cast %swap3A : i32 to index
        %swap3A_104 = arith.index_cast %add3A_94 : i32 to index
        %swap3A_105 = arith.constant 0 : index
        %swap3A_106 = tpu.vector_load %arg10[%swap3A_103, %swap3A_104, %swap3A_105] {strides = array<i32>} : memref<2x80x128xf32, #tpu.memory_space<vmem>>, vector<1x1x16xf32>,
        %swap3A_107 = vector.shape_cast %swap3A_106 : vector<1x1x16xf32> to vector<16xf32>
        %swap3A_108 = vector.shape_cast %add3A_102 : vector<16xf32> to vector<1x1x16xf32>
        tpu.vector_store %arg10[%swap3A_103, %swap3A_104, %swap3A_105], %swap3A_108 {strides = array<i32>} : memref<2x80x128xf32, #tpu.memory_space<vmem>>, vector<1x1x16xf32>,
        %get3A_109 = arith.index_cast %add3A_94 : i32 to index
        %get3A_110 = arith.constant 16 : index
        %get3A_111 = tpu.vector_load %arg8[%get3A_109, %get3A_110] {strides = array<i32>} : memref<80x128xf32, #tpu.memory_space<vmem>>, vector<1x16xf32>,
        %get3A_112 = vector.shape_cast %get3A_111 : vector<1x16xf32> to vector<16xf32>
        %get3A_113 = arith.index_cast %add3A_94 : i32 to index
        %get3A_114 = arith.constant 16 : index
        %get3A_115 = tpu.vector_load %arg9[%get3A_113, %get3A_114] {strides = array<i32>} : memref<80x128xf32, #tpu.memory_space<vmem>>, vector<1x16xf32>,
        %get3A_116 = vector.shape_cast %get3A_115 : vector<1x16xf32> to vector<16xf32>
        %add3A_117 = arith.addf %get3A_112, %get3A_116 : vector<16xf32>
        %swap3A_118 = arith.constant 0 : i32
        %swap3A_119 = arith.index_cast %swap3A_118 : i32 to index
        %swap3A_120 = arith.index_cast %add3A_94 : i32 to index
        %swap3A_121 = arith.constant 16 : index
        %swap3A_122 = tpu.vector_load %arg10[%swap3A_119, %swap3A_120, %swap3A_121] {strides = array<i32>} : memref<2x80x128xf32, #tpu.memory_space<vmem>>, vector<1x1x16xf32>,
        %swap3A_123 = vector.shape_cast %swap3A_122 : vector<1x1x16xf32> to vector<16xf32>
        %swap3A_124 = vector.shape_cast %add3A_117 : vector<16xf32> to vector<1x1x16xf32>
        tpu.vector_store %arg10[%swap3A_119, %swap3A_120, %swap3A_121], %swap3A_124 {strides = array<i32>} : memref<2x80x128xf32, #tpu.memory_space<vmem>>, vector<1x1x16xf32>,
        %get3A_125 = arith.index_cast %add3A_94 : i32 to index
        %get3A_126 = arith.constant 32 : index
        %get3A_127 = tpu.vector_load %arg8[%get3A_125, %get3A_126] {strides = array<i32>} : memref<80x128xf32, #tpu.memory_space<vmem>>, vector<1x16xf32>,
        %get3A_128 = vector.shape_cast %get3A_127 : vector<1x16xf32> to vector<16xf32>
        %get3A_129 = arith.index_cast %add3A_94 : i32 to index
        %get3A_130 = arith.constant 32 : index
        %get3A_131 = tpu.vector_load %arg9[%get3A_129, %get3A_130] {strides = array<i32>} : memref<80x128xf32, #tpu.memory_space<vmem>>, vector<1x16xf32>,
        %get3A_132 = vector.shape_cast %get3A_131 : vector<1x16xf32> to vector<16xf32>
        %add3A_133 = arith.addf %get3A_128, %get3A_132 : vector<16xf32>
        %swap3A_134 = arith.constant 0 : i32
        %swap3A_135 = arith.index_cast %swap3A_134 : i32 to index
        %swap3A_136 = arith.index_cast %add3A_94 : i32 to index
        %swap3A_137 = arith.constant 32 : index
        %swap3A_138 = tpu.vector_load %arg10[%swap3A_135, %swap3A_136, %swap3A_137] {strides = array<i32>} : memref<2x80x128xf32, #tpu.memory_space<vmem>>, vector<1x1x16xf32>,
        %swap3A_139 = vector.shape_cast %swap3A_138 : vector<1x1x16xf32> to vector<16xf32>
        %swap3A_140 = vector.shape_cast %add3A_133 : vector<16xf32> to vector<1x1x16xf32>
        tpu.vector_store %arg10[%swap3A_135, %swap3A_136, %swap3A_137], %swap3A_140 {strides = array<i32>} : memref<2x80x128xf32, #tpu.memory_space<vmem>>, vector<1x1x16xf32>,
        %get3A_141 = arith.index_cast %add3A_94 : i32 to index
        %get3A_142 = arith.constant 48 : index
        %get3A_143 = tpu.vector_load %arg8[%get3A_141, %get3A_142] {strides = array<i32>} : memref<80x128xf32, #tpu.memory_space<vmem>>, vector<1x16xf32>,
        %get3A_144 = vector.shape_cast %get3A_143 : vector<1x16xf32> to vector<16xf32>
        %get3A_145 = arith.index_cast %add3A_94 : i32 to index
        %get3A_146 = arith.constant 48 : index
        %get3A_147 = tpu.vector_load %arg9[%get3A_145, %get3A_146] {strides = array<i32>} : memref<80x128xf32, #tpu.memory_space<vmem>>, vector<1x16xf32>,
        %get3A_148 = vector.shape_cast %get3A_147 : vector<1x16xf32> to vector<16xf32>
        %add3A_149 = arith.addf %get3A_144, %get3A_148 : vector<16xf32>
        %swap3A_150 = arith.constant 0 : i32
        %swap3A_151 = arith.index_cast %swap3A_150 : i32 to index
        %swap3A_152 = arith.index_cast %add3A_94 : i32 to index
        %swap3A_153 = arith.constant 48 : index
        %swap3A_154 = tpu.vector_load %arg10[%swap3A_151, %swap3A_152, %swap3A_153] {strides = array<i32>} : memref<2x80x128xf32, #tpu.memory_space<vmem>>, vector<1x1x16xf32>,
        %swap3A_155 = vector.shape_cast %swap3A_154 : vector<1x1x16xf32> to vector<16xf32>
        %swap3A_156 = vector.shape_cast %add3A_149 : vector<16xf32> to vector<1x1x16xf32>
        tpu.vector_store %arg10[%swap3A_151, %swap3A_152, %swap3A_153], %swap3A_156 {strides = array<i32>} : memref<2x80x128xf32, #tpu.memory_space<vmem>>, vector<1x1x16xf32>,
        %get3A_157 = arith.index_cast %add3A_94 : i32 to index
        %get3A_158 = arith.constant 64 : index
        %get3A_159 = tpu.vector_load %arg8[%get3A_157, %get3A_158] {strides = array<i32>} : memref<80x128xf32, #tpu.memory_space<vmem>>, vector<1x16xf32>,
        %get3A_160 = vector.shape_cast %get3A_159 : vector<1x16xf32> to vector<16xf32>
        %get3A_161 = arith.index_cast %add3A_94 : i32 to index
        %get3A_162 = arith.constant 64 : index
        %get3A_163 = tpu.vector_load %arg9[%get3A_161, %get3A_162] {strides = array<i32>} : memref<80x128xf32, #tpu.memory_space<vmem>>, vector<1x16xf32>,
        %get3A_164 = vector.shape_cast %get3A_163 : vector<1x16xf32> to vector<16xf32>
        %add3A_165 = arith.addf %get3A_160, %get3A_164 : vector<16xf32>
        %swap3A_166 = arith.constant 0 : i32
        %swap3A_167 = arith.index_cast %swap3A_166 : i32 to index
        %swap3A_168 = arith.index_cast %add3A_94 : i32 to index
        %swap3A_169 = arith.constant 64 : index
        %swap3A_170 = tpu.vector_load %arg10[%swap3A_167, %swap3A_168, %swap3A_169] {strides = array<i32>} : memref<2x80x128xf32, #tpu.memory_space<vmem>>, vector<1x1x16xf32>,
        %swap3A_171 = vector.shape_cast %swap3A_170 : vector<1x1x16xf32> to vector<16xf32>
        %swap3A_172 = vector.shape_cast %add3A_165 : vector<16xf32> to vector<1x1x16xf32>
        tpu.vector_store %arg10[%swap3A_167, %swap3A_168, %swap3A_169], %swap3A_172 {strides = array<i32>} : memref<2x80x128xf32, #tpu.memory_space<vmem>>, vector<1x1x16xf32>,
        %get3A_173 = arith.index_cast %add3A_94 : i32 to index
        %get3A_174 = arith.constant 80 : index
        %get3A_175 = tpu.vector_load %arg8[%get3A_173, %get3A_174] {strides = array<i32>} : memref<80x128xf32, #tpu.memory_space<vmem>>, vector<1x16xf32>,
        %get3A_176 = vector.shape_cast %get3A_175 : vector<1x16xf32> to vector<16xf32>
        %get3A_177 = arith.index_cast %add3A_94 : i32 to index
        %get3A_178 = arith.constant 80 : index
        %get3A_179 = tpu.vector_load %arg9[%get3A_177, %get3A_178] {strides = array<i32>} : memref<80x128xf32, #tpu.memory_space<vmem>>, vector<1x16xf32>,
        %get3A_180 = vector.shape_cast %get3A_179 : vector<1x16xf32> to vector<16xf32>
        %add3A_181 = arith.addf %get3A_176, %get3A_180 : vector<16xf32>
        %swap3A_182 = arith.constant 0 : i32
        %swap3A_183 = arith.index_cast %swap3A_182 : i32 to index
        %swap3A_184 = arith.index_cast %add3A_94 : i32 to index
        %swap3A_185 = arith.constant 80 : index
        %swap3A_186 = tpu.vector_load %arg10[%swap3A_183, %swap3A_184, %swap3A_185] {strides = array<i32>} : memref<2x80x128xf32, #tpu.memory_space<vmem>>, vector<1x1x16xf32>,
        %swap3A_187 = vector.shape_cast %swap3A_186 : vector<1x1x16xf32> to vector<16xf32>
        %swap3A_188 = vector.shape_cast %add3A_181 : vector<16xf32> to vector<1x1x16xf32>
        tpu.vector_store %arg10[%swap3A_183, %swap3A_184, %swap3A_185], %swap3A_188 {strides = array<i32>} : memref<2x80x128xf32, #tpu.memory_space<vmem>>, vector<1x1x16xf32>,
        %get3A_189 = arith.index_cast %add3A_94 : i32 to index
        %get3A_190 = arith.constant 96 : index
        %get3A_191 = tpu.vector_load %arg8[%get3A_189, %get3A_190] {strides = array<i32>} : memref<80x128xf32, #tpu.memory_space<vmem>>, vector<1x16xf32>,
        %get3A_192 = vector.shape_cast %get3A_191 : vector<1x16xf32> to vector<16xf32>
        %get3A_193 = arith.index_cast %add3A_94 : i32 to index
        %get3A_194 = arith.constant 96 : index
        %get3A_195 = tpu.vector_load %arg9[%get3A_193, %get3A_194] {strides = array<i32>} : memref<80x128xf32, #tpu.memory_space<vmem>>, vector<1x16xf32>,
        %get3A_196 = vector.shape_cast %get3A_195 : vector<1x16xf32> to vector<16xf32>
        %add3A_197 = arith.addf %get3A_192, %get3A_196 : vector<16xf32>
        %swap3A_198 = arith.constant 0 : i32
        %swap3A_199 = arith.index_cast %swap3A_198 : i32 to index
        %swap3A_200 = arith.index_cast %add3A_94 : i32 to index
        %swap3A_201 = arith.constant 96 : index
        %swap3A_202 = tpu.vector_load %arg10[%swap3A_199, %swap3A_200, %swap3A_201] {strides = array<i32>} : memref<2x80x128xf32, #tpu.memory_space<vmem>>, vector<1x1x16xf32>,
        %swap3A_203 = vector.shape_cast %swap3A_202 : vector<1x1x16xf32> to vector<16xf32>
        %swap3A_204 = vector.shape_cast %add3A_197 : vector<16xf32> to vector<1x1x16xf32>
        tpu.vector_store %arg10[%swap3A_199, %swap3A_200, %swap3A_201], %swap3A_204 {strides = array<i32>} : memref<2x80x128xf32, #tpu.memory_space<vmem>>, vector<1x1x16xf32>,
        %get3A_205 = arith.index_cast %add3A_94 : i32 to index
        %get3A_206 = arith.constant 112 : index
        %get3A_207 = tpu.vector_load %arg8[%get3A_205, %get3A_206] {strides = array<i32>} : memref<80x128xf32, #tpu.memory_space<vmem>>, vector<1x16xf32>,
        %get3A_208 = vector.shape_cast %get3A_207 : vector<1x16xf32> to vector<16xf32>
        %get3A_209 = arith.index_cast %add3A_94 : i32 to index
        %get3A_210 = arith.constant 112 : index
        %get3A_211 = tpu.vector_load %arg9[%get3A_209, %get3A_210] {strides = array<i32>} : memref<80x128xf32, #tpu.memory_space<vmem>>, vector<1x16xf32>,
        %get3A_212 = vector.shape_cast %get3A_211 : vector<1x16xf32> to vector<16xf32>
        %add3A_213 = arith.addf %get3A_208, %get3A_212 : vector<16xf32>
        %swap3A_214 = arith.constant 0 : i32
        %swap3A_215 = arith.index_cast %swap3A_214 : i32 to index
        %swap3A_216 = arith.index_cast %add3A_94 : i32 to index
        %swap3A_217 = arith.constant 112 : index
        %swap3A_218 = tpu.vector_load %arg10[%swap3A_215, %swap3A_216, %swap3A_217] {strides = array<i32>} : memref<2x80x128xf32, #tpu.memory_space<vmem>>, vector<1x1x16xf32>,
        %swap3A_219 = vector.shape_cast %swap3A_218 : vector<1x1x16xf32> to vector<16xf32>
        %swap3A_220 = vector.shape_cast %add3A_213 : vector<16xf32> to vector<1x1x16xf32>
        tpu.vector_store %arg10[%swap3A_215, %swap3A_216, %swap3A_217], %swap3A_220 {strides = array<i32>} : memref<2x80x128xf32, #tpu.memory_space<vmem>>, vector<1x1x16xf32>,
      }
      %scan3A_46 = arith.constant 80 : i32
      %mul3A_47 = arith.constant 40 : i32
      %mul3A_48 = arith.muli %add3A, %mul3A_47 : i32
      %add3A_49 = arith.addi %mul3A_48, %add3A_36 : i32
      %mul3A_50 = arith.constant 80 : i32
      %mul3A_51 = arith.muli %add3A_49, %mul3A_50 : i32
      %lt3A_52 = arith.constant 100000 : i32
      %lt3A_53 = arith.cmpi slt, %mul3A_51, %lt3A_52 : i32
      %convert_element_type3A_54 = arith.extui %lt3A_53 : i1 to i32
      %cond3A_55 = arith.constant 0 : i32
      %cond3A_56 = arith.cmpi ne, %convert_element_type3A_54, %cond3A_55 : i32
      scf.if %cond3A_56 {
        %dma_start3A = arith.constant 0 : i32
        %dma_start3A_90 = arith.constant 0 : i32
        %dma_start3A_91 = arith.constant 0 : i32
        %dma_start3A_92 = tpu.memref_slice %arg10[%dma_start3A, %dma_start3A_90, %dma_start3A_91] : memref<2x80x128xf32, #tpu.memory_space<vmem>> -> memref<1x80x128xf32, #tpu.memory_space<vmem>>
        %dma_start3A_93 = tpu.memref_squeeze %dma_start3A_92 : memref<1x80x128xf32, #tpu.memory_space<vmem>> -> memref<80x128xf32, #tpu.memory_space<vmem>>
        %dma_start3A_94 = arith.constant 0 : i32
        %dma_start3A_95 = tpu.memref_slice %arg5[%mul3A_51, %dma_start3A_94] : memref<100000x128xf32, #tpu.memory_space<hbm>> -> memref<80x128xf32, #tpu.memory_space<hbm>>
        %dma_start3A_96 = arith.constant 0 : i32
        %dma_start3A_97 = tpu.memref_slice %arg5[%mul3A_51, %dma_start3A_96] : memref<100000x128xf32, #tpu.memory_space<hbm>> -> memref<80x128xf32, #tpu.memory_space<hbm>>
        %dma_start3A_98 = arith.constant 0 : i32
        %dma_start3A_99 = arith.constant 0 : i32
        %dma_start3A_100 = tpu.memref_slice %arg10[%dma_start3A, %dma_start3A_98, %dma_start3A_99] : memref<2x80x128xf32, #tpu.memory_space<vmem>> -> memref<1x80x128xf32, #tpu.memory_space<vmem>>
        %dma_start3A_101 = tpu.memref_squeeze %dma_start3A_100 : memref<1x80x128xf32, #tpu.memory_space<vmem>> -> memref<80x128xf32, #tpu.memory_space<vmem>>
        tpu.enqueue_dma source(%dma_start3A_101 : memref<80x128xf32, #tpu.memory_space<vmem>>) target(%dma_start3A_97 : memref<80x128xf32, #tpu.memory_space<hbm>>) target_semaphore(%arg13 : memref<!tpu.dma_semaphore, #tpu.memory_space<semaphore_mem>>)
      } else {
      }
      %not3A = arith.constant true
      %not3A_57 = arith.xori %lt3A_53, %not3A : i1
      %convert_element_type3A_58 = arith.extui %not3A_57 : i1 to i32
      %cond3A_59 = arith.constant 0 : i32
      %cond3A_60 = arith.cmpi ne, %convert_element_type3A_58, %cond3A_59 : i32
      scf.if %cond3A_60 {
        %dma_start3A = arith.constant 0 : i32
        %dma_start3A_90 = arith.constant 0 : i32
        %dma_start3A_91 = arith.constant 0 : i32
        %dma_start3A_92 = tpu.memref_slice %arg10[%dma_start3A, %dma_start3A_90, %dma_start3A_91] : memref<2x80x128xf32, #tpu.memory_space<vmem>> -> memref<1x80x128xf32, #tpu.memory_space<vmem>>
        %dma_start3A_93 = tpu.memref_squeeze %dma_start3A_92 : memref<1x80x128xf32, #tpu.memory_space<vmem>> -> memref<80x128xf32, #tpu.memory_space<vmem>>
        %dma_start3A_94 = arith.constant 0 : i32
        %dma_start3A_95 = arith.constant 0 : i32
        %dma_start3A_96 = tpu.memref_slice %arg10[%dma_start3A, %dma_start3A_94, %dma_start3A_95] : memref<2x80x128xf32, #tpu.memory_space<vmem>> -> memref<1x80x128xf32, #tpu.memory_space<vmem>>
        %dma_start3A_97 = tpu.memref_squeeze %dma_start3A_96 : memref<1x80x128xf32, #tpu.memory_space<vmem>> -> memref<80x128xf32, #tpu.memory_space<vmem>>
        tpu.enqueue_dma source(%dma_start3A_97 : memref<80x128xf32, #tpu.memory_space<vmem>>) target(%arg6 : memref<80x128xf32, #tpu.memory_space<hbm>>) target_semaphore(%arg13 : memref<!tpu.dma_semaphore, #tpu.memory_space<semaphore_mem>>)
      } else {
      }
      %add3A_61 = arith.constant 1 : i32
      %add3A_62 = arith.addi %add3A_34, %add3A_61 : i32
      %run_scoped3A_63 = arith.constant 0 : i32
      "tpu.region"() ({
        %run_scoped3A_90 = tpu.sem_alloc : memref<!tpu.dma_semaphore, #tpu.memory_space<semaphore_mem>>
        %dma_start3A = arith.constant 0 : i32
        %dma_start3A_91 = tpu.memref_slice %arg7[%add3A_62, %run_scoped3A_63, %dma_start3A] : memref<40x2x80xi32, #tpu.memory_space<vmem>> -> memref<1x1x80xi32, #tpu.memory_space<vmem>>
        %dma_start3A_92 = tpu.memref_squeeze %dma_start3A_91 : memref<1x1x80xi32, #tpu.memory_space<vmem>> -> memref<80xi32, #tpu.memory_space<vmem>>
        %dma_start3A_93 = arith.constant 0 : i32
        %dma_start3A_94 = arith.constant 0 : i32
        %dma_start3A_95 = tpu.memref_slice %arg11[%dma_start3A_93, %dma_start3A_94] : memref<5000x128xf32, #tpu.memory_space<vmem_shared>> -> memref<5000x128xf32, #tpu.memory_space<vmem_shared>>
        tpu.enqueue_indirect_dma source(%dma_start3A_95 : memref<5000x128xf32, #tpu.memory_space<vmem_shared>>) target(%arg8 : memref<80x128xf32, #tpu.memory_space<vmem>>) offsets(%dma_start3A_92 : memref<80xi32, #tpu.memory_space<vmem>>) semaphore(%run_scoped3A_90 : memref<!tpu.dma_semaphore, #tpu.memory_space<semaphore_mem>>)
        %dma_wait3A_96 = arith.constant 0 : i32
        %dma_wait3A_97 = tpu.memref_slice %arg7[%add3A_62, %run_scoped3A_63, %dma_wait3A_96] : memref<40x2x80xi32, #tpu.memory_space<vmem>> -> memref<1x1x80xi32, #tpu.memory_space<vmem>>
        %dma_wait3A_98 = tpu.memref_squeeze %dma_wait3A_97 : memref<1x1x80xi32, #tpu.memory_space<vmem>> -> memref<80xi32, #tpu.memory_space<vmem>>
        %dma_wait3A_99 = arith.constant 0 : i32
        %dma_wait3A_100 = arith.constant 0 : i32
        %dma_wait3A_101 = tpu.memref_slice %arg11[%dma_wait3A_99, %dma_wait3A_100] : memref<5000x128xf32, #tpu.memory_space<vmem_shared>> -> memref<5000x128xf32, #tpu.memory_space<vmem_shared>>
        tpu.wait_indirect_dma semaphore(%run_scoped3A_90 : memref<!tpu.dma_semaphore, #tpu.memory_space<semaphore_mem>>) src(%dma_wait3A_101 : memref<5000x128xf32, #tpu.memory_space<vmem_shared>>) dst(%arg8 : memref<80x128xf32, #tpu.memory_space<vmem>>)
        tpu.yield
      }) : () -> ()
      %run_scoped3A_64 = arith.constant 1 : i32
      "tpu.region"() ({
        %run_scoped3A_90 = tpu.sem_alloc : memref<!tpu.dma_semaphore, #tpu.memory_space<semaphore_mem>>
        %dma_start3A = arith.constant 0 : i32
        %dma_start3A_91 = tpu.memref_slice %arg7[%add3A_62, %run_scoped3A_64, %dma_start3A] : memref<40x2x80xi32, #tpu.memory_space<vmem>> -> memref<1x1x80xi32, #tpu.memory_space<vmem>>
        %dma_start3A_92 = tpu.memref_squeeze %dma_start3A_91 : memref<1x1x80xi32, #tpu.memory_space<vmem>> -> memref<80xi32, #tpu.memory_space<vmem>>
        %dma_start3A_93 = arith.constant 0 : i32
        %dma_start3A_94 = arith.constant 0 : i32
        %dma_start3A_95 = tpu.memref_slice %arg12[%dma_start3A_93, %dma_start3A_94] : memref<5000x128xf32, #tpu.memory_space<vmem_shared>> -> memref<5000x128xf32, #tpu.memory_space<vmem_shared>>
        tpu.enqueue_indirect_dma source(%dma_start3A_95 : memref<5000x128xf32, #tpu.memory_space<vmem_shared>>) target(%arg9 : memref<80x128xf32, #tpu.memory_space<vmem>>) offsets(%dma_start3A_92 : memref<80xi32, #tpu.memory_space<vmem>>) semaphore(%run_scoped3A_90 : memref<!tpu.dma_semaphore, #tpu.memory_space<semaphore_mem>>)
        %dma_wait3A_96 = arith.constant 0 : i32
        %dma_wait3A_97 = tpu.memref_slice %arg7[%add3A_62, %run_scoped3A_64, %dma_wait3A_96] : memref<40x2x80xi32, #tpu.memory_space<vmem>> -> memref<1x1x80xi32, #tpu.memory_space<vmem>>
        %dma_wait3A_98 = tpu.memref_squeeze %dma_wait3A_97 : memref<1x1x80xi32, #tpu.memory_space<vmem>> -> memref<80xi32, #tpu.memory_space<vmem>>
        %dma_wait3A_99 = arith.constant 0 : i32
        %dma_wait3A_100 = arith.constant 0 : i32
        %dma_wait3A_101 = tpu.memref_slice %arg12[%dma_wait3A_99, %dma_wait3A_100] : memref<5000x128xf32, #tpu.memory_space<vmem_shared>> -> memref<5000x128xf32, #tpu.memory_space<vmem_shared>>
        tpu.wait_indirect_dma semaphore(%run_scoped3A_90 : memref<!tpu.dma_semaphore, #tpu.memory_space<semaphore_mem>>) src(%dma_wait3A_101 : memref<5000x128xf32, #tpu.memory_space<vmem_shared>>) dst(%arg9 : memref<80x128xf32, #tpu.memory_space<vmem>>)
        tpu.yield
      }) : () -> ()
      %gt3A_65 = arith.constant 0 : i32
      %gt3A_66 = arith.cmpi sgt, %add3A_34, %gt3A_65 : i32
      %convert_element_type3A_67 = arith.extui %gt3A_66 : i1 to i32
      %cond3A_68 = arith.constant 0 : i32
      %cond3A_69 = arith.cmpi ne, %convert_element_type3A_67, %cond3A_68 : i32
      scf.if %cond3A_69 {
        %dma_wait3A_90 = arith.constant 1 : i32
        %dma_wait3A_91 = arith.constant 0 : i32
        %dma_wait3A_92 = arith.constant 0 : i32
        %dma_wait3A_93 = tpu.memref_slice %arg10[%dma_wait3A_90, %dma_wait3A_91, %dma_wait3A_92] : memref<2x80x128xf32, #tpu.memory_space<vmem>> -> memref<1x80x128xf32, #tpu.memory_space<vmem>>
        %dma_wait3A_94 = tpu.memref_squeeze %dma_wait3A_93 : memref<1x80x128xf32, #tpu.memory_space<vmem>> -> memref<80x128xf32, #tpu.memory_space<vmem>>
        %dma_wait3A_95 = arith.constant 0 : i32
        %dma_wait3A_96 = arith.constant 0 : i32
        %dma_wait3A_97 = tpu.memref_slice %arg10[%dma_wait3A_90, %dma_wait3A_95, %dma_wait3A_96] : memref<2x80x128xf32, #tpu.memory_space<vmem>> -> memref<1x80x128xf32, #tpu.memory_space<vmem>>
        %dma_wait3A_98 = tpu.memref_squeeze %dma_wait3A_97 : memref<1x80x128xf32, #tpu.memory_space<vmem>> -> memref<80x128xf32, #tpu.memory_space<vmem>>
        tpu.wait_dma2 semaphore(%arg14 : memref<!tpu.dma_semaphore, #tpu.memory_space<semaphore_mem>>) src(%dma_wait3A_98 : memref<80x128xf32, #tpu.memory_space<vmem>>) dst(%arg6 : memref<80x128xf32, #tpu.memory_space<hbm>>)
      } else {
      }
      %scan3A_70 = arith.constant 0 : i32
      %scan3A_71 = arith.constant 80 : i32
      %scan3A_72 = arith.addi %scan3A_70, %scan3A_71 : i32
      %scan3A_73 = arith.constant 1 : i32
      scf.for %scan3A_90 = %scan3A_70 to %scan3A_72 step %scan3A_73  : i32 {
        %mul3A_91 = arith.constant 1 : i32
        %mul3A_92 = arith.muli %scan3A_90, %mul3A_91 : i32
        %add3A_93 = arith.constant 0 : i32
        %add3A_94 = arith.addi %add3A_93, %mul3A_92 : i32
        %get3A = arith.index_cast %add3A_94 : i32 to index
        %get3A_95 = arith.constant 0 : index
        %get3A_96 = tpu.vector_load %arg8[%get3A, %get3A_95] {strides = array<i32>} : memref<80x128xf32, #tpu.memory_space<vmem>>, vector<1x16xf32>,
        %get3A_97 = vector.shape_cast %get3A_96 : vector<1x16xf32> to vector<16xf32>
        %get3A_98 = arith.index_cast %add3A_94 : i32 to index
        %get3A_99 = arith.constant 0 : index
        %get3A_100 = tpu.vector_load %arg9[%get3A_98, %get3A_99] {strides = array<i32>} : memref<80x128xf32, #tpu.memory_space<vmem>>, vector<1x16xf32>,
        %get3A_101 = vector.shape_cast %get3A_100 : vector<1x16xf32> to vector<16xf32>
        %add3A_102 = arith.addf %get3A_97, %get3A_101 : vector<16xf32>
        %swap3A = arith.constant 1 : i32
        %swap3A_103 = arith.index_cast %swap3A : i32 to index
        %swap3A_104 = arith.index_cast %add3A_94 : i32 to index
        %swap3A_105 = arith.constant 0 : index
        %swap3A_106 = tpu.vector_load %arg10[%swap3A_103, %swap3A_104, %swap3A_105] {strides = array<i32>} : memref<2x80x128xf32, #tpu.memory_space<vmem>>, vector<1x1x16xf32>,
        %swap3A_107 = vector.shape_cast %swap3A_106 : vector<1x1x16xf32> to vector<16xf32>
        %swap3A_108 = vector.shape_cast %add3A_102 : vector<16xf32> to vector<1x1x16xf32>
        tpu.vector_store %arg10[%swap3A_103, %swap3A_104, %swap3A_105], %swap3A_108 {strides = array<i32>} : memref<2x80x128xf32, #tpu.memory_space<vmem>>, vector<1x1x16xf32>,
        %get3A_109 = arith.index_cast %add3A_94 : i32 to index
        %get3A_110 = arith.constant 16 : index
        %get3A_111 = tpu.vector_load %arg8[%get3A_109, %get3A_110] {strides = array<i32>} : memref<80x128xf32, #tpu.memory_space<vmem>>, vector<1x16xf32>,
        %get3A_112 = vector.shape_cast %get3A_111 : vector<1x16xf32> to vector<16xf32>
        %get3A_113 = arith.index_cast %add3A_94 : i32 to index
        %get3A_114 = arith.constant 16 : index
        %get3A_115 = tpu.vector_load %arg9[%get3A_113, %get3A_114] {strides = array<i32>} : memref<80x128xf32, #tpu.memory_space<vmem>>, vector<1x16xf32>,
        %get3A_116 = vector.shape_cast %get3A_115 : vector<1x16xf32> to vector<16xf32>
        %add3A_117 = arith.addf %get3A_112, %get3A_116 : vector<16xf32>
        %swap3A_118 = arith.constant 1 : i32
        %swap3A_119 = arith.index_cast %swap3A_118 : i32 to index
        %swap3A_120 = arith.index_cast %add3A_94 : i32 to index
        %swap3A_121 = arith.constant 16 : index
        %swap3A_122 = tpu.vector_load %arg10[%swap3A_119, %swap3A_120, %swap3A_121] {strides = array<i32>} : memref<2x80x128xf32, #tpu.memory_space<vmem>>, vector<1x1x16xf32>,
        %swap3A_123 = vector.shape_cast %swap3A_122 : vector<1x1x16xf32> to vector<16xf32>
        %swap3A_124 = vector.shape_cast %add3A_117 : vector<16xf32> to vector<1x1x16xf32>
        tpu.vector_store %arg10[%swap3A_119, %swap3A_120, %swap3A_121], %swap3A_124 {strides = array<i32>} : memref<2x80x128xf32, #tpu.memory_space<vmem>>, vector<1x1x16xf32>,
        %get3A_125 = arith.index_cast %add3A_94 : i32 to index
        %get3A_126 = arith.constant 32 : index
        %get3A_127 = tpu.vector_load %arg8[%get3A_125, %get3A_126] {strides = array<i32>} : memref<80x128xf32, #tpu.memory_space<vmem>>, vector<1x16xf32>,
        %get3A_128 = vector.shape_cast %get3A_127 : vector<1x16xf32> to vector<16xf32>
        %get3A_129 = arith.index_cast %add3A_94 : i32 to index
        %get3A_130 = arith.constant 32 : index
        %get3A_131 = tpu.vector_load %arg9[%get3A_129, %get3A_130] {strides = array<i32>} : memref<80x128xf32, #tpu.memory_space<vmem>>, vector<1x16xf32>,
        %get3A_132 = vector.shape_cast %get3A_131 : vector<1x16xf32> to vector<16xf32>
        %add3A_133 = arith.addf %get3A_128, %get3A_132 : vector<16xf32>
        %swap3A_134 = arith.constant 1 : i32
        %swap3A_135 = arith.index_cast %swap3A_134 : i32 to index
        %swap3A_136 = arith.index_cast %add3A_94 : i32 to index
        %swap3A_137 = arith.constant 32 : index
        %swap3A_138 = tpu.vector_load %arg10[%swap3A_135, %swap3A_136, %swap3A_137] {strides = array<i32>} : memref<2x80x128xf32, #tpu.memory_space<vmem>>, vector<1x1x16xf32>,
        %swap3A_139 = vector.shape_cast %swap3A_138 : vector<1x1x16xf32> to vector<16xf32>
        %swap3A_140 = vector.shape_cast %add3A_133 : vector<16xf32> to vector<1x1x16xf32>
        tpu.vector_store %arg10[%swap3A_135, %swap3A_136, %swap3A_137], %swap3A_140 {strides = array<i32>} : memref<2x80x128xf32, #tpu.memory_space<vmem>>, vector<1x1x16xf32>,
        %get3A_141 = arith.index_cast %add3A_94 : i32 to index
        %get3A_142 = arith.constant 48 : index
        %get3A_143 = tpu.vector_load %arg8[%get3A_141, %get3A_142] {strides = array<i32>} : memref<80x128xf32, #tpu.memory_space<vmem>>, vector<1x16xf32>,
        %get3A_144 = vector.shape_cast %get3A_143 : vector<1x16xf32> to vector<16xf32>
        %get3A_145 = arith.index_cast %add3A_94 : i32 to index
        %get3A_146 = arith.constant 48 : index
        %get3A_147 = tpu.vector_load %arg9[%get3A_145, %get3A_146] {strides = array<i32>} : memref<80x128xf32, #tpu.memory_space<vmem>>, vector<1x16xf32>,
        %get3A_148 = vector.shape_cast %get3A_147 : vector<1x16xf32> to vector<16xf32>
        %add3A_149 = arith.addf %get3A_144, %get3A_148 : vector<16xf32>
        %swap3A_150 = arith.constant 1 : i32
        %swap3A_151 = arith.index_cast %swap3A_150 : i32 to index
        %swap3A_152 = arith.index_cast %add3A_94 : i32 to index
        %swap3A_153 = arith.constant 48 : index
        %swap3A_154 = tpu.vector_load %arg10[%swap3A_151, %swap3A_152, %swap3A_153] {strides = array<i32>} : memref<2x80x128xf32, #tpu.memory_space<vmem>>, vector<1x1x16xf32>,
        %swap3A_155 = vector.shape_cast %swap3A_154 : vector<1x1x16xf32> to vector<16xf32>
        %swap3A_156 = vector.shape_cast %add3A_149 : vector<16xf32> to vector<1x1x16xf32>
        tpu.vector_store %arg10[%swap3A_151, %swap3A_152, %swap3A_153], %swap3A_156 {strides = array<i32>} : memref<2x80x128xf32, #tpu.memory_space<vmem>>, vector<1x1x16xf32>,
        %get3A_157 = arith.index_cast %add3A_94 : i32 to index
        %get3A_158 = arith.constant 64 : index
        %get3A_159 = tpu.vector_load %arg8[%get3A_157, %get3A_158] {strides = array<i32>} : memref<80x128xf32, #tpu.memory_space<vmem>>, vector<1x16xf32>,
        %get3A_160 = vector.shape_cast %get3A_159 : vector<1x16xf32> to vector<16xf32>
        %get3A_161 = arith.index_cast %add3A_94 : i32 to index
        %get3A_162 = arith.constant 64 : index
        %get3A_163 = tpu.vector_load %arg9[%get3A_161, %get3A_162] {strides = array<i32>} : memref<80x128xf32, #tpu.memory_space<vmem>>, vector<1x16xf32>,
        %get3A_164 = vector.shape_cast %get3A_163 : vector<1x16xf32> to vector<16xf32>
        %add3A_165 = arith.addf %get3A_160, %get3A_164 : vector<16xf32>
        %swap3A_166 = arith.constant 1 : i32
        %swap3A_167 = arith.index_cast %swap3A_166 : i32 to index
        %swap3A_168 = arith.index_cast %add3A_94 : i32 to index
        %swap3A_169 = arith.constant 64 : index
        %swap3A_170 = tpu.vector_load %arg10[%swap3A_167, %swap3A_168, %swap3A_169] {strides = array<i32>} : memref<2x80x128xf32, #tpu.memory_space<vmem>>, vector<1x1x16xf32>,
        %swap3A_171 = vector.shape_cast %swap3A_170 : vector<1x1x16xf32> to vector<16xf32>
        %swap3A_172 = vector.shape_cast %add3A_165 : vector<16xf32> to vector<1x1x16xf32>
        tpu.vector_store %arg10[%swap3A_167, %swap3A_168, %swap3A_169], %swap3A_172 {strides = array<i32>} : memref<2x80x128xf32, #tpu.memory_space<vmem>>, vector<1x1x16xf32>,
        %get3A_173 = arith.index_cast %add3A_94 : i32 to index
        %get3A_174 = arith.constant 80 : index
        %get3A_175 = tpu.vector_load %arg8[%get3A_173, %get3A_174] {strides = array<i32>} : memref<80x128xf32, #tpu.memory_space<vmem>>, vector<1x16xf32>,
        %get3A_176 = vector.shape_cast %get3A_175 : vector<1x16xf32> to vector<16xf32>
        %get3A_177 = arith.index_cast %add3A_94 : i32 to index
        %get3A_178 = arith.constant 80 : index
        %get3A_179 = tpu.vector_load %arg9[%get3A_177, %get3A_178] {strides = array<i32>} : memref<80x128xf32, #tpu.memory_space<vmem>>, vector<1x16xf32>,
        %get3A_180 = vector.shape_cast %get3A_179 : vector<1x16xf32> to vector<16xf32>
        %add3A_181 = arith.addf %get3A_176, %get3A_180 : vector<16xf32>
        %swap3A_182 = arith.constant 1 : i32
        %swap3A_183 = arith.index_cast %swap3A_182 : i32 to index
        %swap3A_184 = arith.index_cast %add3A_94 : i32 to index
        %swap3A_185 = arith.constant 80 : index
        %swap3A_186 = tpu.vector_load %arg10[%swap3A_183, %swap3A_184, %swap3A_185] {strides = array<i32>} : memref<2x80x128xf32, #tpu.memory_space<vmem>>, vector<1x1x16xf32>,
        %swap3A_187 = vector.shape_cast %swap3A_186 : vector<1x1x16xf32> to vector<16xf32>
        %swap3A_188 = vector.shape_cast %add3A_181 : vector<16xf32> to vector<1x1x16xf32>
        tpu.vector_store %arg10[%swap3A_183, %swap3A_184, %swap3A_185], %swap3A_188 {strides = array<i32>} : memref<2x80x128xf32, #tpu.memory_space<vmem>>, vector<1x1x16xf32>,
        %get3A_189 = arith.index_cast %add3A_94 : i32 to index
        %get3A_190 = arith.constant 96 : index
        %get3A_191 = tpu.vector_load %arg8[%get3A_189, %get3A_190] {strides = array<i32>} : memref<80x128xf32, #tpu.memory_space<vmem>>, vector<1x16xf32>,
        %get3A_192 = vector.shape_cast %get3A_191 : vector<1x16xf32> to vector<16xf32>
        %get3A_193 = arith.index_cast %add3A_94 : i32 to index
        %get3A_194 = arith.constant 96 : index
        %get3A_195 = tpu.vector_load %arg9[%get3A_193, %get3A_194] {strides = array<i32>} : memref<80x128xf32, #tpu.memory_space<vmem>>, vector<1x16xf32>,
        %get3A_196 = vector.shape_cast %get3A_195 : vector<1x16xf32> to vector<16xf32>
        %add3A_197 = arith.addf %get3A_192, %get3A_196 : vector<16xf32>
        %swap3A_198 = arith.constant 1 : i32
        %swap3A_199 = arith.index_cast %swap3A_198 : i32 to index
        %swap3A_200 = arith.index_cast %add3A_94 : i32 to index
        %swap3A_201 = arith.constant 96 : index
        %swap3A_202 = tpu.vector_load %arg10[%swap3A_199, %swap3A_200, %swap3A_201] {strides = array<i32>} : memref<2x80x128xf32, #tpu.memory_space<vmem>>, vector<1x1x16xf32>,
        %swap3A_203 = vector.shape_cast %swap3A_202 : vector<1x1x16xf32> to vector<16xf32>
        %swap3A_204 = vector.shape_cast %add3A_197 : vector<16xf32> to vector<1x1x16xf32>
        tpu.vector_store %arg10[%swap3A_199, %swap3A_200, %swap3A_201], %swap3A_204 {strides = array<i32>} : memref<2x80x128xf32, #tpu.memory_space<vmem>>, vector<1x1x16xf32>,
        %get3A_205 = arith.index_cast %add3A_94 : i32 to index
        %get3A_206 = arith.constant 112 : index
        %get3A_207 = tpu.vector_load %arg8[%get3A_205, %get3A_206] {strides = array<i32>} : memref<80x128xf32, #tpu.memory_space<vmem>>, vector<1x16xf32>,
        %get3A_208 = vector.shape_cast %get3A_207 : vector<1x16xf32> to vector<16xf32>
        %get3A_209 = arith.index_cast %add3A_94 : i32 to index
        %get3A_210 = arith.constant 112 : index
        %get3A_211 = tpu.vector_load %arg9[%get3A_209, %get3A_210] {strides = array<i32>} : memref<80x128xf32, #tpu.memory_space<vmem>>, vector<1x16xf32>,
        %get3A_212 = vector.shape_cast %get3A_211 : vector<1x16xf32> to vector<16xf32>
        %add3A_213 = arith.addf %get3A_208, %get3A_212 : vector<16xf32>
        %swap3A_214 = arith.constant 1 : i32
        %swap3A_215 = arith.index_cast %swap3A_214 : i32 to index
        %swap3A_216 = arith.index_cast %add3A_94 : i32 to index
        %swap3A_217 = arith.constant 112 : index
        %swap3A_218 = tpu.vector_load %arg10[%swap3A_215, %swap3A_216, %swap3A_217] {strides = array<i32>} : memref<2x80x128xf32, #tpu.memory_space<vmem>>, vector<1x1x16xf32>,
        %swap3A_219 = vector.shape_cast %swap3A_218 : vector<1x1x16xf32> to vector<16xf32>
        %swap3A_220 = vector.shape_cast %add3A_213 : vector<16xf32> to vector<1x1x16xf32>
        tpu.vector_store %arg10[%swap3A_215, %swap3A_216, %swap3A_217], %swap3A_220 {strides = array<i32>} : memref<2x80x128xf32, #tpu.memory_space<vmem>>, vector<1x1x16xf32>,
      }
      %scan3A_74 = arith.constant 80 : i32
      %mul3A_75 = arith.constant 40 : i32
      %mul3A_76 = arith.muli %add3A, %mul3A_75 : i32
      %add3A_77 = arith.addi %mul3A_76, %add3A_62 : i32
      %mul3A_78 = arith.constant 80 : i32
      %mul3A_79 = arith.muli %add3A_77, %mul3A_78 : i32
      %lt3A_80 = arith.constant 100000 : i32
      %lt3A_81 = arith.cmpi slt, %mul3A_79, %lt3A_80 : i32
      %convert_element_type3A_82 = arith.extui %lt3A_81 : i1 to i32
      %cond3A_83 = arith.constant 0 : i32
      %cond3A_84 = arith.cmpi ne, %convert_element_type3A_82, %cond3A_83 : i32
      scf.if %cond3A_84 {
        %dma_start3A = arith.constant 1 : i32
        %dma_start3A_90 = arith.constant 0 : i32
        %dma_start3A_91 = arith.constant 0 : i32
        %dma_start3A_92 = tpu.memref_slice %arg10[%dma_start3A, %dma_start3A_90, %dma_start3A_91] : memref<2x80x128xf32, #tpu.memory_space<vmem>> -> memref<1x80x128xf32, #tpu.memory_space<vmem>>
        %dma_start3A_93 = tpu.memref_squeeze %dma_start3A_92 : memref<1x80x128xf32, #tpu.memory_space<vmem>> -> memref<80x128xf32, #tpu.memory_space<vmem>>
        %dma_start3A_94 = arith.constant 0 : i32
        %dma_start3A_95 = tpu.memref_slice %arg5[%mul3A_79, %dma_start3A_94] : memref<100000x128xf32, #tpu.memory_space<hbm>> -> memref<80x128xf32, #tpu.memory_space<hbm>>
        %dma_start3A_96 = arith.constant 0 : i32
        %dma_start3A_97 = tpu.memref_slice %arg5[%mul3A_79, %dma_start3A_96] : memref<100000x128xf32, #tpu.memory_space<hbm>> -> memref<80x128xf32, #tpu.memory_space<hbm>>
        %dma_start3A_98 = arith.constant 0 : i32
        %dma_start3A_99 = arith.constant 0 : i32
        %dma_start3A_100 = tpu.memref_slice %arg10[%dma_start3A, %dma_start3A_98, %dma_start3A_99] : memref<2x80x128xf32, #tpu.memory_space<vmem>> -> memref<1x80x128xf32, #tpu.memory_space<vmem>>
        %dma_start3A_101 = tpu.memref_squeeze %dma_start3A_100 : memref<1x80x128xf32, #tpu.memory_space<vmem>> -> memref<80x128xf32, #tpu.memory_space<vmem>>
        tpu.enqueue_dma source(%dma_start3A_101 : memref<80x128xf32, #tpu.memory_space<vmem>>) target(%dma_start3A_97 : memref<80x128xf32, #tpu.memory_space<hbm>>) target_semaphore(%arg14 : memref<!tpu.dma_semaphore, #tpu.memory_space<semaphore_mem>>)
      } else {
      }
      %not3A_85 = arith.constant true
      %not3A_86 = arith.xori %lt3A_81, %not3A_85 : i1
      %convert_element_type3A_87 = arith.extui %not3A_86 : i1 to i32
      %cond3A_88 = arith.constant 0 : i32
      %cond3A_89 = arith.cmpi ne, %convert_element_type3A_87, %cond3A_88 : i32
      scf.if %cond3A_89 {
        %dma_start3A = arith.constant 1 : i32
        %dma_start3A_90 = arith.constant 0 : i32
        %dma_start3A_91 = arith.constant 0 : i32
        %dma_start3A_92 = tpu.memref_slice %arg10[%dma_start3A, %dma_start3A_90, %dma_start3A_91] : memref<2x80x128xf32, #tpu.memory_space<vmem>> -> memref<1x80x128xf32, #tpu.memory_space<vmem>>
        %dma_start3A_93 = tpu.memref_squeeze %dma_start3A_92 : memref<1x80x128xf32, #tpu.memory_space<vmem>> -> memref<80x128xf32, #tpu.memory_space<vmem>>
        %dma_start3A_94 = arith.constant 0 : i32
        %dma_start3A_95 = arith.constant 0 : i32
        %dma_start3A_96 = tpu.memref_slice %arg10[%dma_start3A, %dma_start3A_94, %dma_start3A_95] : memref<2x80x128xf32, #tpu.memory_space<vmem>> -> memref<1x80x128xf32, #tpu.memory_space<vmem>>
        %dma_start3A_97 = tpu.memref_squeeze %dma_start3A_96 : memref<1x80x128xf32, #tpu.memory_space<vmem>> -> memref<80x128xf32, #tpu.memory_space<vmem>>
        tpu.enqueue_dma source(%dma_start3A_97 : memref<80x128xf32, #tpu.memory_space<vmem>>) target(%arg6 : memref<80x128xf32, #tpu.memory_space<hbm>>) target_semaphore(%arg14 : memref<!tpu.dma_semaphore, #tpu.memory_space<semaphore_mem>>)
      } else {
      }
    }
    %scan3A_12 = arith.constant 20 : i32
    %dma_wait3A = arith.constant 0 : i32
    %dma_wait3A_13 = arith.constant 0 : i32
    %dma_wait3A_14 = arith.constant 0 : i32
    %dma_wait3A_15 = tpu.memref_slice %arg10[%dma_wait3A, %dma_wait3A_13, %dma_wait3A_14] : memref<2x80x128xf32, #tpu.memory_space<vmem>> -> memref<1x80x128xf32, #tpu.memory_space<vmem>>
    %dma_wait3A_16 = tpu.memref_squeeze %dma_wait3A_15 : memref<1x80x128xf32, #tpu.memory_space<vmem>> -> memref<80x128xf32, #tpu.memory_space<vmem>>
    %dma_wait3A_17 = arith.constant 0 : i32
    %dma_wait3A_18 = arith.constant 0 : i32
    %dma_wait3A_19 = tpu.memref_slice %arg10[%dma_wait3A, %dma_wait3A_17, %dma_wait3A_18] : memref<2x80x128xf32, #tpu.memory_space<vmem>> -> memref<1x80x128xf32, #tpu.memory_space<vmem>>
    %dma_wait3A_20 = tpu.memref_squeeze %dma_wait3A_19 : memref<1x80x128xf32, #tpu.memory_space<vmem>> -> memref<80x128xf32, #tpu.memory_space<vmem>>
    tpu.wait_dma2 semaphore(%arg13 : memref<!tpu.dma_semaphore, #tpu.memory_space<semaphore_mem>>) src(%dma_wait3A_20 : memref<80x128xf32, #tpu.memory_space<vmem>>) dst(%arg6 : memref<80x128xf32, #tpu.memory_space<hbm>>)
    %dma_wait3A_21 = arith.constant 1 : i32
    %dma_wait3A_22 = arith.constant 0 : i32
    %dma_wait3A_23 = arith.constant 0 : i32
    %dma_wait3A_24 = tpu.memref_slice %arg10[%dma_wait3A_21, %dma_wait3A_22, %dma_wait3A_23] : memref<2x80x128xf32, #tpu.memory_space<vmem>> -> memref<1x80x128xf32, #tpu.memory_space<vmem>>
    %dma_wait3A_25 = tpu.memref_squeeze %dma_wait3A_24 : memref<1x80x128xf32, #tpu.memory_space<vmem>> -> memref<80x128xf32, #tpu.memory_space<vmem>>
    %dma_wait3A_26 = arith.constant 0 : i32
    %dma_wait3A_27 = arith.constant 0 : i32
    %dma_wait3A_28 = tpu.memref_slice %arg10[%dma_wait3A_21, %dma_wait3A_26, %dma_wait3A_27] : memref<2x80x128xf32, #tpu.memory_space<vmem>> -> memref<1x80x128xf32, #tpu.memory_space<vmem>>
    %dma_wait3A_29 = tpu.memref_squeeze %dma_wait3A_28 : memref<1x80x128xf32, #tpu.memory_space<vmem>> -> memref<80x128xf32, #tpu.memory_space<vmem>>
    tpu.wait_dma2 semaphore(%arg14 : memref<!tpu.dma_semaphore, #tpu.memory_space<semaphore_mem>>) src(%dma_wait3A_29 : memref<80x128xf32, #tpu.memory_space<vmem>>) dst(%arg6 : memref<80x128xf32, #tpu.memory_space<hbm>>)
    return
  }
}

module attributes {stable_mosaic.version = 14 : i64} {
  func.func @body(%arg0: memref<1000x128xf32, #tpu.memory_space<vmem>>, %arg1: memref<5x128xf32, #tpu.memory_space<vmem>>, %arg2: memref<1000x5x128xf32, #tpu.memory_space<vmem>>) attributes {dimension_semantics = [], scalar_prefetch = 0 : i64, scratch_operands = 0 : i64, tpu.core_type = #tpu.core_type<tc>} {
    %get3A = arith.constant 0 : index
    %get3A_0 = arith.constant 0 : index
    %get3A_1 = vector.load %arg0[%get3A, %get3A_0] : memref<1000x128xf32, #tpu.memory_space<vmem>>, vector<1000x128xf32>
    %broadcast_in_dim3A = vector.shape_cast %get3A_1 : vector<1000x128xf32> to vector<1000x1x128xf32>
    %get3A_2 = arith.constant 0 : index
    %get3A_3 = arith.constant 0 : index
    %get3A_4 = vector.load %arg1[%get3A_2, %get3A_3] : memref<5x128xf32, #tpu.memory_space<vmem>>, vector<5x128xf32>
    %broadcast_in_dim3A_5 = vector.shape_cast %get3A_4 : vector<5x128xf32> to vector<1x5x128xf32>
    %add3A = vector.broadcast %broadcast_in_dim3A : vector<1000x1x128xf32> to vector<1000x5x128xf32>
    %add3A_6 = vector.broadcast %broadcast_in_dim3A_5 : vector<1x5x128xf32> to vector<1000x5x128xf32>
    %add3A_7 = arith.addf %add3A, %add3A_6 : vector<1000x5x128xf32>
    %swap3A = arith.constant 0 : index
    %swap3A_8 = arith.constant 0 : index
    %swap3A_9 = arith.constant 0 : index
    %swap3A_10 = vector.load %arg2[%swap3A, %swap3A_8, %swap3A_9] : memref<1000x5x128xf32, #tpu.memory_space<vmem>>, vector<1000x5x128xf32>
    tpu.vector_store %arg2[%swap3A, %swap3A_8, %swap3A_9], %add3A_7 {strides = array<i32>} : memref<1000x5x128xf32, #tpu.memory_space<vmem>>, vector<1000x5x128xf32>,
    return
  }
}

</mosaic_0001>

<sc_bundles>
// kernel: kernel.4.cloned.1.call-start
scs
__scs_entry_jumppad:
0x0: {  	(pc) =	sbr.rel $0x88, $3  }
0x1: {  	(tag) =	ssettag $0x0;
	lr =	simm.s32 $0x1  }
0x2: {  	[smem:$0x3F9D] =	sst lr;
	_ =	strace $0xD0000000  }
0x3: {  	_ = 	snop  }
0x4: {  	_ = 	snop  }
0x5: {  	_ = 	snop  }
0x6: {  	_ = 	snop  }
0x7: {  	_ = 	snop  }
__scs_overlays_trampoline_lowered:
0x8: {  	[smem:$0x3FAC] =	sst s0  }
0x9: {  	[smem:$0x3FAD] =	sst s1  }
0xa: {  	[smem:$0x3FAE] =	sst s2  }
0xb: {  	[smem:$0x3FAF] =	sst s3  }
0xc: {  	[smem:$0x3FB0] =	sst s4  }
0xd: {  	[smem:$0x3FB1] =	sst s5  }
0xe: {  	[smem:$0x3FB2] =	sst s6  }
0xf: {  	[smem:$0x3FB3] =	sst s7  }
0x10: {  	[smem:$0x3FB4] =	sst s8  }
0x11: {  	[smem:$0x3FB5] =	sst s9;
	s0 =	simm.s32 @!p0 $0x0  }
0x12: {  	s1 =	sld [smem:$0x3F9B];
	s0 =	simm.s32 @p0 $0x1  }
0x13: {  	[smem:$0x3FB6] =	sst s0;
	s0 =	simm.s32 @!p1 $0x0  }
0x14: {  	s2 =	sld [smem:$0x3F9A];
	s0 =	simm.s32 @p1 $0x1  }
0x15: {  	[smem:$0x3FB7] =	sst s0;
	s0 =	simm.s32 @!p2 $0x0  }
0x16: {  	s3 =	sld [smem:$0x3FDB];
	s0 =	simm.s32 @p2 $0x1  }
0x17: {  	s4 =	simm.s32 $0x1BF5;
	[smem:$0x3FB9] =	sst s0  }
0x18: {  	s0 =	sld [smem:$0x3F9C];
	_ =	swait.ge [sflag:s4], $0x0  }
0x19: {  	s7 =	sld [smem:$0x3F9D]  }
0x1a: {  	s8 =	sadd.s32 $0xFFFFE003, lr  }
0x1b: {  	s9 =	sadd.s32 $0xFFFFFEF7, lr;
	s5 =	simm.s32 $0xFFFFFFFF;
	p2 =	slt.u32 s8, $0xFFFFF086  }
0x1c: {  	p1 =	slt.u32 s9, $0xF7A;
	s5 =	simm.s32 @!p2 $0x0  }
0x1d: {  	s5 =	simm.s32 @p1 $0x1;
	p0 =	seq.s32 s7, s2  }
0x1e: {  	s7 =	smul.u32 @!p0 $0xF7A, s2;
	p2 =	seq.s32 @!p0 s5, $0x0  }
0x1f: {  	s9 =	smul.u32 $0xF7A, s1;
	s8 =	simm.s32 @!p0 $0x1BF5;
	p2 =	por !p2, p0  }
0x20: {  	[sflag:s8] =	ssyncset.s32 @!p0 $0xFFFFF086;
	s6 =	sadd.s32 @!p0 s3, s7;
	s7 =	simm.s32 @!p0 $0x108  }
0x21: {  	s3 =	sadd.s32 s3, s9;
	s6 =	sadd.s32 @!p0 $0x88, s6;
	s7 =	simm.s32 @p2 $0x1082  }
0x22: {  	[simem:s7], [sflag:s8] =	dma.local @!p0 [hbm:s6], $0xF7A  }
0x23: {  	s9 =	sor.u32 $0xD0000000, s2;
	s6 =	simm.s32 $0x108;
	_ =	swait.ge @!p0 [sflag:s8], $0x0  }
0x24: {  	s3 =	sadd.s32 $0x88, s3;
	s6 =	simm.s32 @!p1 $0x1082;
	[sflag:s4] =	ssyncset.s32 $0xFFFFF086  }
0x25: {  	[simem:s6], [sflag:s4] =	dma.local [hbm:s3], $0xF7A  }
0x26: {  	[smem:$0x3F9D] =	sst s1;
	(tag) =	ssettag s2;
	_ =	strace s9  }
0x27: {  	s1 =	sld [smem:$0x3FAD]  }
0x28: {  	s2 =	sld [smem:$0x3FAE]  }
0x29: {  	s4 =	sld [smem:$0x3FB0]  }
0x2a: {  	p0 =	seq.s32 s5, $0x0;
	s5 =	sld [smem:$0x3FB1]  }
0x2b: {  	s6 =	sld [smem:$0x3FB2]  }
0x2c: {  	s7 =	sld [smem:$0x3FB3]  }
0x2d: {  	s3 =	simm.s32 $0x108;
	s8 =	sld [smem:$0x3FB4]  }
0x2e: {  	s3 =	simm.s32 @!p0 $0x1082;
	s9 =	sld [smem:$0x3FB5]  }
0x2f: {  	lr =	sadd.s32 s0, s3;
	s0 =	sld [smem:$0x3FAC]  }
0x30: {  	s3 =	sld [smem:$0x3FAF]  }
0x31: {  	[smem:$0x3FB8] =	sst s10  }
0x32: {  	s10 =	sld [smem:$0x3FB6];
	_ =	sdelay $0x3  }
0x33: {  	p0 =	seq.s32 s10, $0x1;
	s10 =	sld [smem:$0x3FB8];
	_ =	sdelay $0x3  }
0x34: {  	[smem:$0x3FB8] =	sst s10  }
0x35: {  	s10 =	sld [smem:$0x3FB7];
	_ =	sdelay $0x3  }
0x36: {  	p1 =	seq.s32 s10, $0x1;
	s10 =	sld [smem:$0x3FB8];
	_ =	sdelay $0x3  }
0x37: {  	[smem:$0x3FB8] =	sst s10  }
0x38: {  	s10 =	sld [smem:$0x3FB9]  }
0x39: {  	_ = 	snop;
	(pc) =	sbr.ind lr, $3  }
0x3a: {  	_ = 	snop  }
0x3b: {  	_ = 	snop  }
0x3c: {  	p2 =	seq.s32 s10, $0x1;
	s10 =	sld [smem:$0x3FB8]  }
0x3d: {  	_ =	shalt  }
0x3e: {  	_ =	shalt  }
0x3f: {  	_ =	shalt  }
0x40: {  	_ =	shalt  }
0x41: {  	_ =	shalt  }
0x42: {  	_ =	shalt  }
0x43: {  	_ =	shalt  }
0x44: {  	_ =	shalt  }
0x45: {  	_ =	shalt  }
0x46: {  	_ =	shalt  }
0x47: {  	_ =	shalt  }
0x48: {  	_ =	shalt  }
0x49: {  	_ =	shalt  }
0x4a: {  	_ =	shalt  }
0x4b: {  	_ =	shalt  }
0x4c: {  	_ =	shalt  }
0x4d: {  	_ =	shalt  }
0x4e: {  	_ =	shalt  }
0x4f: {  	_ =	shalt  }
0x50: {  	_ =	shalt  }
0x51: {  	_ =	shalt  }
0x52: {  	_ =	shalt  }
0x53: {  	_ =	shalt  }
0x54: {  	_ =	shalt  }
0x55: {  	_ =	shalt  }
0x56: {  	_ =	shalt  }
0x57: {  	_ =	shalt  }
0x58: {  	_ =	shalt  }
0x59: {  	_ =	shalt  }
0x5a: {  	_ =	shalt  }
0x5b: {  	_ =	shalt  }
0x5c: {  	_ =	shalt  }
0x5d: {  	_ =	shalt  }
0x5e: {  	_ =	shalt  }
0x5f: {  	_ =	shalt  }
0x60: {  	_ =	shalt  }
0x61: {  	_ =	shalt  }
0x62: {  	_ =	shalt  }
0x63: {  	_ =	shalt  }
0x64: {  	_ =	shalt  }
0x65: {  	_ =	shalt  }
0x66: {  	_ =	shalt  }
0x67: {  	_ =	shalt  }
0x68: {  	_ =	shalt  }
0x69: {  	_ =	shalt  }
0x6a: {  	_ =	shalt  }
0x6b: {  	_ =	shalt  }
0x6c: {  	_ =	shalt  }
0x6d: {  	_ =	shalt  }
0x6e: {  	_ =	shalt  }
0x6f: {  	_ =	shalt  }
0x70: {  	_ =	shalt  }
0x71: {  	_ =	shalt  }
0x72: {  	_ =	shalt  }
0x73: {  	_ =	shalt  }
0x74: {  	_ =	shalt  }
0x75: {  	_ =	shalt  }
0x76: {  	_ =	shalt  }
0x77: {  	_ =	shalt  }
0x78: {  	_ =	shalt  }
0x79: {  	_ =	shalt  }
0x7a: {  	_ =	shalt  }
0x7b: {  	_ =	shalt  }
0x7c: {  	_ =	shalt  }
0x7d: {  	_ =	shalt  }
0x7e: {  	_ =	shalt  }
0x7f: {  	_ =	shalt  }
0x80: {  	_ =	shalt  }
0x81: {  	_ =	shalt  }
0x82: {  	_ =	shalt  }
0x83: {  	_ =	shalt  }
0x84: {  	_ =	shalt  }
0x85: {  	_ =	shalt  }
0x86: {  	_ =	shalt  }
0x87: {  	_ =	shalt  }
.Lfunc_end0:
.L_simem_size_0:
called_computation_lowered:
.L_overlay_start_0:
0x88: {  	s2 =	sld [smem:$0x3FD9]  }
0x89: {  	s3 =	sld [smem:$0x3FFE];
	_ =	sdelay $0x1  }
0x8a: {  	s1 =	srdreg.scid  }
0x8b: {  	s0 =	sand.u32 $0x1, s1  }
0x8c: {  	s17 =	sshll.u32 s0, $0xA;
	s2 =	sadd.s32 s3, s2  }
0x8d: {  	s2 =	sadd.s32 s2, s17  }
0x8e: {  	[smem:$0x3FC4] =	sst s2  }
0x8f: {  	_ = 	snop  }
0x90: {  	s2 =	sld [smem:$0x3FC6]  }
0x91: {  	s18 =	sld [smem:$0x3FD0];
	(tm) =	ssettm $0x1  }
0x92: {  	s4 =	sld [smem:$0x3FFB];
	_ =	sdelay $0x3  }
0x93: {  	_ =	strace s4  }
0x94: {  	s4 =	sld [smem:$0x3FFC];
	_ =	sdelay $0x3  }
0x95: {  	_ =	strace s4  }
0x96: {  	s4 =	sld [smem:$0x3FFD];
	_ =	sdelay $0x3  }
0x97: {  	_ =	strace s4  }
0x98: {  	_ =	strace $0x8FFFFFFF  }
0x99: {  	s19 =	sld [smem:$0x3FDB];
	_ =	sdelay $0x1  }
0x9a: {  	s5 =	simm.s32 $_scs_section_size  }
0x9b: {  	s6 =	simm.s32 $_size__tile_overlayer_lowered;
	s7 =	simm.s32 $_tile_overlayer_lowered  }
0x9c: {  	s22 =	simm.s32 $0x1BFF;
	s21 =	sshll.u32 s7, $0x1;
	s4 =	sadd.s32 s5, s19  }
0x9d: {  	s8 =	simm.s32 $0x0;
	s20 =	sshll.u32 s6, $0x1;
	s6 =	sadd.s32 s21, s4  }
0x9e: {  	[timem:s8], [sflag:s22] =	dma.local [hbm:s6], s20  }
0x9f: {  	_ =	swait.ge [sflag:s22], s20  }
0xa0: {  	s5 =	ssub.s32 $0x0, s20;
	[sflag:s22] =	ssyncset.done $0x0  }
0xa1: {  	[sflag:s22] =	ssyncadd.s32 s5;
	_ =	sdelay $0x1  }
0xa2: {  	s23 =	simm.s32 $0x1B8B  }
0xa3: {  	_ =	swait.ge [sflag:s23], $0x1  }
0xa4: {  	[sflag:s23] =	ssyncset.done $0x0  }
0xa5: {  	s25 =	simm.s32 $0x1B8E;
	s24 =	sld [smem:$0x3FFE];
	[sflag:s23] =	ssyncadd.s32 $0xFFFFFFFF  }
0xa6: {  	s26 =	simm.s32 $execute0_lowered;
	[smem:$0x3FD2] =	sst s25  }
0xa7: {  	s6 =	sshll.u32 s26, $0x1;
	_ =	strace $0x80000046;
	[dreg:$0x1] =	wrdreg $0xFFFFFFFF  }
0xa8: {  	s28 =	simm.s32 $_size_execute0_lowered;
	s4 =	sadd.s32 s4, s6;
	[dreg:$0x0] =	wrdreg $0x0  }
0xa9: {  	s6 =	sshll.u32 s28, $0x1;
	[dreg:$0x2] =	wrdreg s4  }
0xaa: {  	[dreg:$0x3] =	wrdreg s6  }
0xab: {  	[dreg:$0x4] =	wrdreg $0xC0  }
0xac: {  	_ =	task [dreg:s8], $0x5FFFF  }
0xad: {  	[dreg:$0x1] =	wrdreg $0xFFFFFFFF  }
0xae: {  	[dreg:$0x0] =	wrdreg $0x60  }
0xaf: {  	[dreg:$0x2] =	wrdreg s24  }
0xb0: {  	[dreg:$0x3] =	wrdreg s2  }
0xb1: {  	[dreg:$0x4] =	wrdreg s18  }
0xb2: {  	[dreg:$0x5] =	wrdreg $0xB9000  }
0xb3: {  	[dreg:$0x6] =	wrdreg $0x155400  }
0xb4: {  	[dreg:$0x7] =	wrdreg $0x9  }
0xb5: {  	_ =	task.clear_ibuf [dreg:s8], $0x8FFFF;
	_ =	strace $0x90000046  }
0xb6: {  	s29 =	simm.s32 $0x9;
	_ =	strace $0x80000048  }
0xb7: {  	_ =	swait.ge [sflag:s29], $0x1  }
0xb8: {  	[sflag:s29] =	ssyncadd.s32 $0xFFFFFFFF  }
0xb9: {  	_ =	strace $0x90000048  }
0xba: {  	_ =	sfence  }
0xbb: {  	s30 =	sld [smem:$0x0];
	_ =	sdelay $0x2  }
0xbc: {  	s31 =	sshll.u32 s1, $0xD;
	s1 =	sshrl.u32 s1, $0x2  }
0xbd: {  	s3 =	sand.u32 $0x4000, s31;
	s1 =	sadd.s32 s1, s30  }
0xbe: {  	s0 =	sor.u32 s3, s0;
	s1 =	sshll.u32 s1, $0x11  }
0xbf: {  	s0 =	sor.u32 s1, s0  }
0xc0: {  	s0 =	sadd.s32 $0x8F2B, s0  }
0xc1: {  	[sflag:s0] =	ssyncadd.remote.s32 $0x1  }
0xc2: {  	_ =	sfence.sel $0xFFFF  }
0xc3: {  	[dreg:$0x0] =	wrdreg $0xFFFFFFFF;
	(pc) =	sbr.abs _section_cstart, $3  }
0xc4: {  	[dreg:$0x1] =	wrdreg $0xFFFFFFFF  }
0xc5: {  	_ =	task.clear_ibuf [dreg:s8], $0x2FFFF;
	_ =	strace $0x9FFFFFFF  }
0xc6: {  	(tm) =	ssettm $0x7FFFFFFF  }
0xc7: {  	_ =	shalt  }
tec
execute0_lowered:
.L_overlay_start_1:
0x0: {  	(tag) =	ssettag $0x1  }
0x1: {  	s6 =	rddreg [dreg:$0x0]  }
0x2: {  	s9 =	rddreg [dreg:$0x1]  }
0x3: {  	s1 =	rddreg [dreg:$0x2]  }
0x4: {  	s2 =	srdreg.scid;
	s3 =	rddreg [dreg:$0x3]  }
0x5: {  	s0 =	stileid.u32;
	s4 =	rddreg [dreg:$0x4];
	s5 =	simm.s32 $0x0  }
0x6: {  	s15 =	simm.s32 $0x1900;
	s16 =	simm.s32 $0x4100;
	s17 =	simm.s32 $0x6900  }
0x7: {  	s18 =	simm.s32 $0x9100;
	s19 =	simm.s32 $0x1;
	s20 =	simm.s32 $0x2  }
0x8: {  	s21 =	simm.s32 $0x0;
	s7 =	sand.u32 $0x1, s2;
	s2 =	rddreg [dreg:$0x5]  }
0x9: {  	s29 =	sshll.u32 s0, $0x1;
	[smem:$0x7FF] =	sst s5;
	s11 =	smul.u32 $0x13880, s0  }
0xa: {  	p0 =	slt.u32 s0, $0x8;
	s31 =	sshll.u32 s0, $0x6;
	s8 =	sor.u32 s7, s29  }
0xb: {  	_ =	strace $0x80000047;
	s7 =	ssub.s32 $0x2, s7;
	s10 =	smul.u32 $0x320, s8  }
0xc: {  	s12 =	sshrl.u32 s11, $0x3;
	s13 =	sshrl.u32 s7, $0x1;
	s30 =	sadd.s32 $0xFFF63C00, s11  }
0xd: {  	s11 =	sadd.s32 s11, s3;
	s12 =	sadd.s32 s12, s6;
	s13 =	ssub.s32 s7, s13  }
0xe: {  	s7 =	smul.u32 $0x28, s8;
	s14 =	sadd.s32 s30, s4;
	s10 =	sadd.s32 s10, s6  }
0xf: {  	s6 =	sadd.s32 $0x1A200, s6;
	s12 =	sadd.s32 $0x6800, s12;
	s14 =	smov.u32 @p0 s11  }
0x10: {  	s11 =	simm.s32 $0x3;
	s8 =	sadd.s32 $0x400, s10;
	s10 =	sshrl.u32 s30, $0x3  }
0x11: {  	s9 =	sadd.s32 s9, s10;
	s10 =	smax.u32 s13, $0x1;
	s13 =	sshrl.u32 s14, $0x3  }
0x12: {  	s14 =	simm.s32 $0x50;
	s9 =	smov.u32 @p0 s12;
	s12 =	sor.u32 $0x1C03, s31  }
.LBB2_1:
0x13: {  	[tilespmem:s5], [sflag:$0x3] =	stream.linear.gather [hbm4b:s8+s5], $0x1900, $0x38;
	[tilespmem:$0x1F180] =	vst v63  }
0x14: {  	_ =	swait.ge [sflag:s11], $0x1900  }
0x15: {  	[sflag:s11] =	ssyncset.done $0x0  }
0x16: {  	[sflag:s11] =	ssyncadd.s32 $0xFFFFE700  }
0x17: {  	[spmem:s13], [sflag:s12] =	dma.local [hbm:s9], $0x2710  }
0x18: {  	_ =	swait.ge [sflag:s11], $0x2710  }
0x19: {  	[sflag:s11] =	ssyncset.done $0x0  }
0x1a: {  	[sflag:s11] =	ssyncadd.s32 $0xFFFFD8F0  }
0x1b: {  	s22 =	simm.s32 $0x0;
	[bflag:$0x0] =	sbarrier.arrive $0xFFFF  }
.LBB2_2:
0x1c: {  	s23 =	smul.u32 $0x500, s22;
	_ =	sdelay $0x1  }
0x1d: {  	s23 =	sshra.s32 s23, $0x2  }
0x1e: {  	[tilespmem:s15], [sflag:$0x3] =	stream.indirect.gather [spmem:s3], $0x80, s23, s14, $0xb8;
	[tilespmem:$0x1F180] =	vst v63  }
0x1f: {  	_ =	swait.ge [sflag:s11], $0x2800  }
0x20: {  	[sflag:s11] =	ssyncset.done $0x0  }
0x21: {  	s23 =	sadd.s32 $0x50, s23;
	[sflag:s11] =	ssyncadd.s32 $0xFFFFD800  }
0x22: {  	[tilespmem:s16], [sflag:$0x3] =	stream.indirect.gather [spmem:s4], $0x80, s23, s14, $0xb8;
	[tilespmem:$0x1F180] =	vst v63  }
0x23: {  	_ =	swait.ge [sflag:s11], $0x2800  }
0x24: {  	p0 =	seq.s32 s22, $0x0;
	[sflag:s11] =	ssyncset.done $0x0  }
0x25: {  	s23 =	simm.s32 @!p0 $0x1;
	[sflag:s11] =	ssyncadd.s32 $0xFFFFD800  }
0x26: {  	_ =	swait.ge @!p0 [sflag:s23], $0x2800  }
0x27: {  	[sflag:s23] =	ssyncset.done @!p0 $0x0  }
0x28: {  	s24 =	simm.s32 $0x0;
	[sflag:s23] =	ssyncadd.s32 @!p0 $0xFFFFD800  }
0x29: {  	v0 =	vld [tilespmem:s24+$0x1970]  }
0x2a: {  	v1 =	vld [tilespmem:s24+$0x4170]  }
0x2b: {  	v2 =	vld [tilespmem:s24+$0x1900]  }
0x2c: {  	v3 =	vld [tilespmem:s24+$0x4100]  }
0x2d: {  	v4 =	vld [tilespmem:s24+$0x1910]  }
0x2e: {  	v5 =	vld [tilespmem:s24+$0x4110]  }
0x2f: {  	v6 =	vld [tilespmem:s24+$0x1920]  }
0x30: {  	v7 =	vld [tilespmem:s24+$0x1930]  }
0x31: {  	v0 =	vadd.f32 v1, v0;
	v1 =	vld [tilespmem:s24+$0x4120]  }
0x32: {  	v8 =	vld [tilespmem:s24+$0x4130]  }
0x33: {  	v9 =	vld [tilespmem:s24+$0x4140];
	v2 =	vadd.f32 v3, v2  }
0x34: {  	[tilespmem:s24+$0x6970] =	vst v0;
	v0 =	vadd.f32 v5, v4;
	v5 =	vld [tilespmem:s24+$0x1940]  }
0x35: {  	v3 =	vld [tilespmem:s24+$0x4150];
	[tilespmem:s24+$0x6900] =	vst v2  }
0x36: {  	v2 =	vld [tilespmem:s24+$0x1950];
	[tilespmem:s24+$0x6910] =	vst v0;
	v0 =	vadd.f32 v1, v6  }
0x37: {  	v4 =	vld [tilespmem:s24+$0x4160];
	v6 =	vadd.f32 v8, v7  }
0x38: {  	s25 =	simm.s32 $0x80;
	[tilespmem:s24+$0x6920] =	vst v0;
	v0 =	vld [tilespmem:s24+$0x1960]  }
0x39: {  	s26 =	simm.s32 $0x400;
	s23 =	sshll.u32 s22, $0x1;
	v5 =	vadd.f32 v9, v5;
	v1 =	vld [tilespmem:s25+$0x1970];
	[tilespmem:s24+$0x6930] =	vst v6  }
.LBB2_3:
0x3a: {  	p1 =	sne.s32 s26, $0x9E00;
	v6 =	vld [tilespmem:s25+$0x4170]  }
0x3b: {  	v7 =	vld [tilespmem:s25+$0x1900];
	[tilespmem:s24+$0x6940] =	vst v5;
	v2 =	vadd.f32 v3, v2  }
0x3c: {  	v3 =	vld [tilespmem:s25+$0x4100]  }
0x3d: {  	v5 =	vld [tilespmem:s25+$0x1910];
	[tilespmem:s24+$0x6950] =	vst v2;
	v0 =	vadd.f32 v4, v0  }
0x3e: {  	v2 =	vld [tilespmem:s25+$0x4110]  }
0x3f: {  	v4 =	vld [tilespmem:s25+$0x1920];
	v1 =	vadd.f32 v6, v1;
	[tilespmem:s24+$0x6960] =	vst v0;
	s24 =	smov.u32 s25  }
0x40: {  	v0 =	vld [tilespmem:s24+$0x4120]  }
0x41: {  	v3 =	vadd.f32 v3, v7;
	v6 =	vld [tilespmem:s24+$0x1930];
	[tilespmem:s24+$0x6970] =	vst v1  }
0x42: {  	v1 =	vld [tilespmem:s24+$0x4130]  }
0x43: {  	[tilespmem:s24+$0x6900] =	vst v3;
	v2 =	vadd.f32 v2, v5;
	v5 =	vld [tilespmem:s24+$0x1940]  }
0x44: {  	v7 =	vld [tilespmem:s24+$0x4140]  }
.Ltmp0:
0x45: {  	[tilespmem:s24+$0x6910] =	vst v2;
	v0 =	vadd.f32 v0, v4;
	v2 =	vld [tilespmem:s24+$0x1950];
	(pc) =	sbr.rel @p1 .LBB2_3-.Ltmp0, $4  }
0x46: {  	v3 =	vld [tilespmem:s24+$0x4150]  }
0x47: {  	[tilespmem:s24+$0x6920] =	vst v0;
	v6 =	vadd.f32 v1, v6;
	v0 =	vld [tilespmem:s24+$0x1960]  }
0x48: {  	s25 =	sshra.s32 s26, $0x2;
	v4 =	vld [tilespmem:s24+$0x4160]  }
0x49: {  	s26 =	sadd.s32 $0x200, s26;
	v1 =	vld [tilespmem:s25+$0x1970];
	[tilespmem:s24+$0x6930] =	vst v6;
	v5 =	vadd.f32 v7, v5  }
0x4a: {  	v6 =	vld [tilespmem:s25+$0x4170]  }
0x4b: {  	v7 =	vld [tilespmem:s25+$0x1900];
	[tilespmem:s24+$0x6940] =	vst v5;
	v2 =	vadd.f32 v3, v2  }
0x4c: {  	v3 =	vld [tilespmem:s25+$0x4100]  }
0x4d: {  	v5 =	vld [tilespmem:s25+$0x1910];
	[tilespmem:s24+$0x6950] =	vst v2;
	v0 =	vadd.f32 v4, v0  }
0x4e: {  	v2 =	vld [tilespmem:s25+$0x4110]  }
0x4f: {  	v4 =	vld [tilespmem:s25+$0x1920];
	[tilespmem:s24+$0x6960] =	vst v0  }
0x50: {  	v0 =	vadd.f32 v6, v1;
	v1 =	vld [tilespmem:s25+$0x4120]  }
0x51: {  	v6 =	vld [tilespmem:s25+$0x1930]  }
0x52: {  	v3 =	vadd.f32 v3, v7;
	[tilespmem:s25+$0x6970] =	vst v0;
	v0 =	vld [tilespmem:s25+$0x4130]  }
0x53: {  	v7 =	vld [tilespmem:s25+$0x4160]  }
0x54: {  	[tilespmem:s25+$0x6900] =	vst v3;
	v2 =	vadd.f32 v2, v5;
	v3 =	vld [tilespmem:s25+$0x1940]  }
0x55: {  	v5 =	vld [tilespmem:s25+$0x4140]  }
0x56: {  	[tilespmem:s25+$0x6910] =	vst v2;
	v1 =	vadd.f32 v1, v4;
	v2 =	vld [tilespmem:s25+$0x1950]  }
0x57: {  	v4 =	vld [tilespmem:s25+$0x4150]  }
0x58: {  	[tilespmem:s25+$0x6920] =	vst v1;
	v1 =	vld [tilespmem:s25+$0x1960];
	_ =	sdelay $0x1  }
0x59: {  	s24 =	sadd.s32 s7, s23;
	v0 =	vadd.f32 v0, v6  }
0x5a: {  	p1 =	sgt.u32 s24, $0x4E1;
	v3 =	vadd.f32 v5, v3  }
0x5b: {  	s24 =	smul.u32 @!p1 $0x500, s24;
	[tilespmem:s25+$0x6930] =	vst v0;
	v0 =	vadd.f32 v4, v2  }
0x5c: {  	[tilespmem:s25+$0x6940] =	vst v3;
	v1 =	vadd.f32 v7, v1  }
0x5d: {  	s23 =	sor.u32 $0x1, s23;
	s24 =	sadd.s32 @!p1 s1, s24;
	[tilespmem:s25+$0x6950] =	vst v0  }
0x5e: {  	s30 =	smul.u32 $0x280, s23;
	s24 =	smov.u32 @p1 s6;
	[tilespmem:s25+$0x6960] =	vst v1  }
0x5f: {  	[hbm4b:s24+s5] =	stream.linear.scatter [tilespmem:s17], [sflag:$0x1], $0x2800, $0x38;
	[tilespmem:$0x1F180] =	vst v63  }
0x60: {  	s31 =	sshra.s32 s30, $0x2  }
0x61: {  	[tilespmem:s15], [sflag:$0x3] =	stream.indirect.gather [spmem:s3], $0x80, s31, s14, $0xb8;
	[tilespmem:$0x1F180] =	vst v63  }
0x62: {  	_ =	swait.ge [sflag:s11], $0x2800  }
0x63: {  	[sflag:s11] =	ssyncset.done $0x0  }
0x64: {  	s24 =	sadd.s32 $0x50, s31;
	[sflag:s11] =	ssyncadd.s32 $0xFFFFD800  }
0x65: {  	[tilespmem:s16], [sflag:$0x3] =	stream.indirect.gather [spmem:s4], $0x80, s24, s14, $0xb8;
	[tilespmem:$0x1F180] =	vst v63  }
0x66: {  	_ =	swait.ge [sflag:s11], $0x2800  }
0x67: {  	[sflag:s11] =	ssyncset.done $0x0  }
0x68: {  	s24 =	simm.s32 @!p0 $0x2;
	[sflag:s11] =	ssyncadd.s32 $0xFFFFD800  }
0x69: {  	_ =	swait.ge @!p0 [sflag:s24], $0x2800  }
0x6a: {  	[sflag:s24] =	ssyncset.done @!p0 $0x0  }
0x6b: {  	[sflag:s24] =	ssyncadd.s32 @!p0 $0xFFFFD800;
	s24 =	simm.s32 $0x0  }
0x6c: {  	v0 =	vld [tilespmem:s24+$0x1970]  }
0x6d: {  	v1 =	vld [tilespmem:s24+$0x4170]  }
0x6e: {  	v2 =	vld [tilespmem:s24+$0x1900]  }
0x6f: {  	v3 =	vld [tilespmem:s24+$0x4100]  }
0x70: {  	v4 =	vld [tilespmem:s24+$0x1910]  }
0x71: {  	v5 =	vld [tilespmem:s24+$0x4110]  }
0x72: {  	v6 =	vld [tilespmem:s24+$0x1920]  }
0x73: {  	v7 =	vld [tilespmem:s24+$0x1930]  }
0x74: {  	v0 =	vadd.f32 v1, v0;
	v1 =	vld [tilespmem:s24+$0x4120]  }
0x75: {  	v8 =	vld [tilespmem:s24+$0x4130]  }
0x76: {  	v9 =	vld [tilespmem:s24+$0x4140];
	v2 =	vadd.f32 v3, v2  }
0x77: {  	[tilespmem:s24+$0x9170] =	vst v0;
	v0 =	vadd.f32 v5, v4;
	v5 =	vld [tilespmem:s24+$0x1940]  }
0x78: {  	v3 =	vld [tilespmem:s24+$0x4150];
	[tilespmem:s24+$0x9100] =	vst v2  }
0x79: {  	v2 =	vld [tilespmem:s24+$0x1950];
	[tilespmem:s24+$0x9110] =	vst v0;
	v0 =	vadd.f32 v1, v6  }
0x7a: {  	v4 =	vld [tilespmem:s24+$0x4160];
	v6 =	vadd.f32 v8, v7  }
0x7b: {  	s25 =	simm.s32 $0x80;
	[tilespmem:s24+$0x9120] =	vst v0;
	v0 =	vld [tilespmem:s24+$0x1960]  }
0x7c: {  	s26 =	simm.s32 $0x400;
	v5 =	vadd.f32 v9, v5;
	v1 =	vld [tilespmem:s25+$0x1970];
	[tilespmem:s24+$0x9130] =	vst v6  }
.LBB2_5:
0x7d: {  	p0 =	sne.s32 s26, $0x9E00;
	v6 =	vld [tilespmem:s25+$0x4170]  }
0x7e: {  	v7 =	vld [tilespmem:s25+$0x1900];
	[tilespmem:s24+$0x9140] =	vst v5;
	v2 =	vadd.f32 v3, v2  }
0x7f: {  	v3 =	vld [tilespmem:s25+$0x4100]  }
0x80: {  	v5 =	vld [tilespmem:s25+$0x1910];
	[tilespmem:s24+$0x9150] =	vst v2;
	v0 =	vadd.f32 v4, v0  }
0x81: {  	v2 =	vld [tilespmem:s25+$0x4110]  }
0x82: {  	v4 =	vld [tilespmem:s25+$0x1920];
	v1 =	vadd.f32 v6, v1;
	[tilespmem:s24+$0x9160] =	vst v0;
	s24 =	smov.u32 s25  }
0x83: {  	v0 =	vld [tilespmem:s24+$0x4120]  }
0x84: {  	v3 =	vadd.f32 v3, v7;
	v6 =	vld [tilespmem:s24+$0x1930];
	[tilespmem:s24+$0x9170] =	vst v1  }
0x85: {  	v1 =	vld [tilespmem:s24+$0x4130]  }
0x86: {  	[tilespmem:s24+$0x9100] =	vst v3;
	v2 =	vadd.f32 v2, v5;
	v5 =	vld [tilespmem:s24+$0x1940]  }
0x87: {  	v7 =	vld [tilespmem:s24+$0x4140]  }
.Ltmp1:
0x88: {  	[tilespmem:s24+$0x9110] =	vst v2;
	v0 =	vadd.f32 v0, v4;
	v2 =	vld [tilespmem:s24+$0x1950];
	(pc) =	sbr.rel @p0 .LBB2_5-.Ltmp1, $4  }
0x89: {  	v3 =	vld [tilespmem:s24+$0x4150]  }
0x8a: {  	[tilespmem:s24+$0x9120] =	vst v0;
	v6 =	vadd.f32 v1, v6;
	v0 =	vld [tilespmem:s24+$0x1960]  }
0x8b: {  	s25 =	sshra.s32 s26, $0x2;
	v4 =	vld [tilespmem:s24+$0x4160]  }
0x8c: {  	s26 =	sadd.s32 $0x200, s26;
	v1 =	vld [tilespmem:s25+$0x1970];
	[tilespmem:s24+$0x9130] =	vst v6;
	v5 =	vadd.f32 v7, v5  }
0x8d: {  	v6 =	vld [tilespmem:s25+$0x4170]  }
0x8e: {  	v7 =	vld [tilespmem:s25+$0x1900];
	[tilespmem:s24+$0x9140] =	vst v5;
	v2 =	vadd.f32 v3, v2  }
0x8f: {  	v51 =	vld [tilespmem:s25+$0x4100]  }
0x90: {  	v5 =	vld [tilespmem:s25+$0x1910];
	[tilespmem:s24+$0x9150] =	vst v2;
	v0 =	vadd.f32 v4, v0  }
0x91: {  	v2 =	vld [tilespmem:s25+$0x4110]  }
0x92: {  	v52 =	vld [tilespmem:s25+$0x1920];
	[tilespmem:s24+$0x9160] =	vst v0  }
0x93: {  	v54 =	vld [tilespmem:s25+$0x4120]  }
0x94: {  	v55 =	vld [tilespmem:s25+$0x1930]  }
0x95: {  	v56 =	vld [tilespmem:s25+$0x4130]  }
0x96: {  	v57 =	vld [tilespmem:s25+$0x1940]  }
0x97: {  	v58 =	vld [tilespmem:s25+$0x4140]  }
0x98: {  	v59 =	vld [tilespmem:s25+$0x1950]  }
0x99: {  	s23 =	sadd.s32 s7, s23;
	v53 =	vadd.f32 v6, v1;
	v60 =	vld [tilespmem:s25+$0x4150]  }
0x9a: {  	p0 =	sgt.u32 s23, $0x4E1;
	v61 =	vld [tilespmem:s25+$0x1960];
	v3 =	vadd.f32 v51, v7  }
0x9b: {  	s23 =	smul.u32 @!p0 $0x500, s23;
	v62 =	vld [tilespmem:s25+$0x4160];
	[tilespmem:s25+$0x9170] =	vst v53;
	v2 =	vadd.f32 v2, v5  }
0x9c: {  	[tilespmem:s25+$0x9100] =	vst v3;
	v1 =	vadd.f32 v54, v52  }
0x9d: {  	s22 =	sadd.s32 $0x1, s22;
	s23 =	sadd.s32 @!p0 s1, s23;
	[tilespmem:s25+$0x9110] =	vst v2;
	v0 =	vadd.f32 v56, v55  }
0x9e: {  	s23 =	smov.u32 @p0 s6;
	p0 =	sne.s32 s22, $0x14;
	v3 =	vadd.f32 v58, v57;
	[tilespmem:s25+$0x9120] =	vst v1  }
.Ltmp2:
0x9f: {  	v63 =	vadd.f32 v60, v59;
	[tilespmem:s25+$0x9130] =	vst v0;
	(pc) =	sbr.rel @p0 .LBB2_2-.Ltmp2, $4  }
0xa0: {  	[tilespmem:s25+$0x9140] =	vst v3;
	v1 =	vadd.f32 v62, v61  }
0xa1: {  	[tilespmem:s25+$0x9150] =	vst v63  }
0xa2: {  	[tilespmem:s25+$0x9160] =	vst v1  }
0xa3: {  	[hbm4b:s23+s5] =	stream.linear.scatter [tilespmem:s18], [sflag:$0x2], $0x2800, $0x38;
	[tilespmem:$0x1F180] =	vst v63  }
0xa4: {  	s21 =	sadd.s32 $0x1, s21  }
0xa5: {  	_ =	swait.ge [sflag:s19], $0x2800;
	p0 =	sne.s32 s21, s10  }
.Ltmp3:
0xa6: {  	[sflag:s19] =	ssyncset.done $0x0;
	(pc) =	sbr.rel @p0 .LBB2_1-.Ltmp3, $4  }
0xa7: {  	[sflag:s19] =	ssyncadd.s32 $0xFFFFD800  }
0xa8: {  	_ =	swait.ge [sflag:s20], $0x2800  }
0xa9: {  	[sflag:s20] =	ssyncset.done $0x0  }
0xaa: {  	[sflag:s20] =	ssyncadd.s32 $0xFFFFD800  }
0xab: {  	_ =	sfence.sel $0x180000  }
0xac: {  	[bflag:$0x0] =	sbarrier.arrive $0xFFFF  }
0xad: {  	p0 =	sne.s32 s0, $0x0;
	_ =	strace $0x90000047  }
0xae: {  	s0 =	sadd.s32 @!p0 $0x100000, s2;
	[bflag:$0x2] =	sbarrier.arrive $0xFFFF  }
0xaf: {  	[sflag:s0] =	ssyncadd.tile.s32 @!p0 $0x1;
	_ =	shalt  }
.Lfunc_end2:
_tile_overlayer_lowered:
.L_overlay_start_2:
0xb0: {  	(tag) =	ssettag $0x2  }
0xb1: {  	s0 =	rddreg [dreg:$0x0];
	s2 =	stileid.u32  }
0xb2: {  	s1 =	rddreg [dreg:$0x1];
	p0 =	sne.s32 s2, $0x0  }
0xb3: {  	s3 =	rddreg [dreg:$0x2];
	[bflag:$0x3] =	sbarrier.arrive $0xFFFF;
	s2 =	simm.s32 @!p0 $0x1C03  }
0xb4: {  	[timem:s3], [sflag:s2] =	dma.local @!p0 [hbm:s0], s1  }
0xb5: {  	s0 =	simm.s32 @!p0 $0x3  }
0xb6: {  	_ =	swait.ge @!p0 [sflag:s0], s1  }
0xb7: {  	s1 =	ssub.s32 @!p0 $0x0, s1;
	[sflag:s0] =	ssyncset.done @!p0 $0x0  }
0xb8: {  	[sflag:s0] =	ssyncadd.s32 @!p0 s1  }
0xb9: {  	[bflag:$0x3] =	sbarrier.arrive $0xFFFF  }
0xba: {  	_ =	shalt  }

</sc_bundles>
